<compile_context>
chip_gen: v7x
topology: tpu7x:2x2x1
jax: 0.10.2.dev20260603
libtpu: 0.0.44.dev20260713+nightly
codegen_flags: <defaults>
</compile_context>

<pallas_src>
import functools

import jax
import jax.numpy as jnp
from jax import lax
from jax.experimental import pallas as pl
from jax.experimental.pallas import tpu as pltpu
from jax.experimental.pallas import tpu_sc as plsc

N = 50000
E = 400000
IN_C = 16
HID = 16

_NC = 2
_NS = 16
_NW = _NC * _NS
_GRP = 128
_G = E // _GRP
_GPW = 98
_GP = _GPW * _NW
_EP = _GP * _GRP
_BK = 14
_NBURST = _GPW // _BK
_BKS = 7
_NBURSTS = _GPW // _BKS
_STRIPE = N // _NS
_NPAD = N + 8


def _sc_gather(x, src_groups):
  mesh = plsc.VectorSubcoreMesh(core_axis_name="c", subcore_axis_name="s",
                                num_cores=_NC, num_subcores=_NS)

  @functools.partial(
      pl.kernel,
      out_type=jax.ShapeDtypeStruct((_GP, _GRP, IN_C), jnp.float32),
      mesh=mesh,
      scratch_types=[
          pltpu.VMEM((_BK, _GRP), jnp.int32),
          pltpu.VMEM((_BK, _GRP, IN_C), jnp.float32),
          pltpu.SemaphoreType.DMA,
      ],
      compiler_params=pltpu.CompilerParams(use_tc_tiling_on_sc=False),
  )
  def k(x_hbm, src_hbm, out_hbm, idx_v, rows_v, sem):
    wid = lax.axis_index("s") * _NC + lax.axis_index("c")
    base = wid * _GPW

    def body(t, carry):
      g0 = base + t * _BK
      pltpu.sync_copy(src_hbm.at[pl.ds(g0, _BK)], idx_v)
      descs = [pltpu.async_copy(x_hbm.at[idx_v.at[j]], rows_v.at[j], sem)
               for j in range(_BK)]
      for d in descs:
        d.wait()
      pltpu.sync_copy(rows_v, out_hbm.at[pl.ds(g0, _BK)])
      return carry

    lax.fori_loop(0, _NBURST, body, 0)

  return k(x, src_groups)


def _sc_scatter(comb, dst_groups, zeros_init):
  mesh = plsc.VectorSubcoreMesh(core_axis_name="c", subcore_axis_name="s",
                                num_cores=_NC, num_subcores=_NS)

  @functools.partial(
      pl.kernel,
      out_type=jax.ShapeDtypeStruct((_NC * N, 2 * HID), jnp.float32),
      mesh=mesh,
      scratch_types=[
          pltpu.VMEM_SHARED((_NPAD, 2 * HID), jnp.float32),
          pltpu.VMEM((_BKS, _GRP), jnp.int32),
          pltpu.VMEM((_BKS * _GRP, 2 * HID), jnp.float32),
          pltpu.SemaphoreType.DMA,
      ],
      compiler_params=pltpu.CompilerParams(use_tc_tiling_on_sc=False),
  )
  def k(comb_hbm, dst_hbm, zeros_hbm, out_hbm, acc, dst_v, comb_v, sem):
    cid = lax.axis_index("c")
    sid = lax.axis_index("s")
    wid = sid * _NC + cid
    base = wid * _GPW

    pltpu.sync_copy(zeros_hbm.at[pl.ds(sid * _STRIPE, _STRIPE)],
                    acc.at[pl.ds(sid * _STRIPE, _STRIPE)])
    plsc.subcore_barrier()

    def body(t, carry):
      g0 = base + t * _BKS
      pltpu.sync_copy(dst_hbm.at[pl.ds(g0, _BKS)], dst_v)
      pltpu.sync_copy(comb_hbm.at[pl.ds(g0 * _GRP, _BKS * _GRP)], comb_v)
      descs = [
          pltpu.async_copy(comb_v.at[pl.ds(j * _GRP, _GRP)],
                           acc.at[dst_v.at[j]], sem, add=True)
          for j in range(_BKS)
      ]
      for d in descs:
        d.wait()
      return carry

    lax.fori_loop(0, _NBURSTS, body, 0)
    plsc.subcore_barrier()

    pltpu.sync_copy(acc.at[pl.ds(sid * _STRIPE, _STRIPE)],
                    out_hbm.at[pl.ds(cid * N + sid * _STRIPE, _STRIPE)])

  return k(comb, dst_groups, zeros_init)


_BE = 3200
_RE = _BE // 8


def _edge_body(ea_ref, xg_ref, b1p_ref, b2p_ref, w1p_ref, w2p_ref, rp_ref,
               spc_ref, ones_ref, comb_ref):
  ea = ea_ref[...]
  eh = jnp.maximum(
      jnp.dot(ea, w1p_ref[...], preferred_element_type=jnp.float32)
      + b1p_ref[...], 0.0)
  we = jnp.dot(eh, w2p_ref[...],
               preferred_element_type=jnp.float32) + b2p_ref[...]
  xrep = jnp.dot(xg_ref[...], rp_ref[...],
                 preferred_element_type=jnp.float32)
  prod = we * xrep
  comb_ref[...] = jnp.dot(prod, spc_ref[...],
                          preferred_element_type=jnp.float32) + ones_ref[...]


def _tc_edge_mlp(eap8, xgp, b1p, b2p, w1p, w2p, rp, spc, onesmask):
  grid = (E // _BE,)
  return pl.pallas_call(
      _edge_body,
      grid=grid,
      in_specs=[
          pl.BlockSpec((_RE, 32), lambda i: (i, 0)),
          pl.BlockSpec((_RE, 128), lambda i: (i, 0)),
          pl.BlockSpec((1, 256), lambda i: (0, 0)),
          pl.BlockSpec((1, 2048), lambda i: (0, 0)),
          pl.BlockSpec((32, 256), lambda i: (0, 0)),
          pl.BlockSpec((256, 2048), lambda i: (0, 0)),
          pl.BlockSpec((128, 2048), lambda i: (0, 0)),
          pl.BlockSpec((2048, 256), lambda i: (0, 0)),
          pl.BlockSpec((1, 256), lambda i: (0, 0)),
      ],
      out_specs=pl.BlockSpec((_RE, 256), lambda i: (i, 0)),
      out_shape=jax.ShapeDtypeStruct((_EP // 8, 256), jnp.float32),
  )(eap8, xgp, b1p, b2p, w1p, w2p, rp, spc, onesmask)


_BN = 2000


def _dense_body(x_ref, hp1_ref, hp2_ref, c0_ref, c1_ref, root_ref, rb_ref,
                u_ref, tb_ref, woutt_ref, bo_ref, hout_ref, hg_ref):
  c0 = c0_ref[...]
  c1 = c1_ref[...]
  agg = c0[:, :16] + c1[:, :16]
  cnt = c0[:, 16:] + c1[:, 16:]
  mean = agg / jnp.maximum(cnt, 1.0)
  hg = jnp.maximum(
      mean + jnp.dot(x_ref[...], root_ref[...],
                     preferred_element_type=jnp.float32) + rb_ref[...], 0.0)
  hcat = jnp.concatenate([hp1_ref[...], hp2_ref[...], hg], axis=1)
  outcat = jnp.dot(hcat, u_ref[...], preferred_element_type=jnp.float32) \
      + tb_ref[...]
  hout_ref[...] = jnp.dot(outcat, woutt_ref[...],
                          preferred_element_type=jnp.float32) + bo_ref[...]
  hg_ref[...] = hg


def _tc_dense(x, hp1, hp2, comb2, root, rbr, u, tbcat, woutt, boutr):
  grid = (N // _BN,)
  nblk = N // _BN
  return pl.pallas_call(
      _dense_body,
      grid=grid,
      in_specs=[
          pl.BlockSpec((_BN, IN_C), lambda i: (i, 0)),
          pl.BlockSpec((_BN, HID), lambda i: (i, 0)),
          pl.BlockSpec((_BN, HID), lambda i: (i, 0)),
          pl.BlockSpec((_BN, 2 * HID), lambda i: (i, 0)),
          pl.BlockSpec((_BN, 2 * HID), lambda i, n=nblk: (i + n, 0)),
          pl.BlockSpec((IN_C, HID), lambda i: (0, 0)),
          pl.BlockSpec((1, HID), lambda i: (0, 0)),
          pl.BlockSpec((48, 48), lambda i: (0, 0)),
          pl.BlockSpec((1, 48), lambda i: (0, 0)),
          pl.BlockSpec((48, HID), lambda i: (0, 0)),
          pl.BlockSpec((1, HID), lambda i: (0, 0)),
      ],
      out_specs=[
          pl.BlockSpec((_BN, HID), lambda i: (i, 0)),
          pl.BlockSpec((_BN, HID), lambda i: (i, 0)),
      ],
      out_shape=[
          jax.ShapeDtypeStruct((N, HID), jnp.float32),
          jax.ShapeDtypeStruct((N, HID), jnp.float32),
      ],
  )(x, hp1, hp2, comb2, comb2, root, rbr, u, tbcat, woutt, boutr)


def _packed_weights(W1, b1, W2, b2):
  f32 = jnp.float32
  r32 = jnp.arange(32)
  r128 = jnp.arange(128)
  r256 = jnp.arange(256)
  r2048 = jnp.arange(2048)
  w1p = jnp.where((r32[:, None] // 4 == r256[None, :] // 32),
                  W1[r256[None, :] % 32, r32[:, None] % 4], 0.0).astype(f32)
  b1p = jnp.tile(b1, 8)[None, :]
  w2p = jnp.where((r256[:, None] // 32 == r2048[None, :] // 256),
                  W2[r2048[None, :] % 256, r256[:, None] % 32], 0.0).astype(f32)
  b2p = jnp.tile(b2, 8)[None, :]
  rp = ((r128[:, None] // 16 == r2048[None, :] // 256)
        & (r128[:, None] % 16 == (r2048[None, :] % 256) // 16)).astype(f32)
  spc = ((r2048[:, None] // 256 == r256[None, :] // 32)
         & (r2048[:, None] % 16 == r256[None, :] % 32)).astype(f32)
  onesmask = (r256 % 32 >= 16).astype(f32)[None, :]
  return w1p, b1p, w2p, b2p, rp, spc, onesmask


def kernel(x, edge_index, edge_attr, h_prev, W1, b1, W2, b2, root, root_bias,
           tw1, tb1, tw2, tb2, tw3, tb3, Wout, bout):
  src_groups = jnp.pad(edge_index[0].reshape(_G, _GRP), ((0, _GP - _G), (0, 0)))
  dst_groups = jnp.pad(edge_index[1].reshape(_G, _GRP), ((0, _GP - _G), (0, 0)),
                       constant_values=N)

  xg3 = _sc_gather(x, src_groups)
  xgp = xg3.reshape(_EP * IN_C // 128, 128)

  w1p, b1p, w2p, b2p, rp, spc, onesmask = _packed_weights(W1, b1, W2, b2)
  eap8 = edge_attr.reshape(E // 8, 32)
  combp = _tc_edge_mlp(eap8, xgp, b1p, b2p, w1p, w2p, rp, spc, onesmask)
  comb = combp.reshape(_EP, 2 * HID)

  zeros_init = jnp.zeros((_NPAD, 2 * HID), jnp.float32)
  combparts = _sc_scatter(comb, dst_groups, zeros_init)

  t = jnp.zeros((48, 48), jnp.float32)
  t = t.at[0:16, 16:32].set(tw2[:, :, 0].T)
  t = t.at[16:32, 0:16].set(tw1[:, :, 0].T)
  t = t.at[32:48, 0:16].set(tw1[:, :, 1].T)
  t = t.at[32:48, 16:32].set(tw2[:, :, 1].T)
  t = t.at[32:48, 32:48].set(tw3[:, :, 1].T)
  tbcat = jnp.concatenate([tb1, tb2, tb3])[None, :]
  hp1 = h_prev[:, 1, :]
  hp2 = h_prev[:, 2, :]
  h_out, hg = _tc_dense(x, hp1, hp2, combparts, root, root_bias[None, :],
                        t, tbcat, Wout.T, bout[None, :])
  h_hist = jnp.concatenate([h_prev[:, 1:], hg[:, None, :]], axis=1)
  return h_out, h_hist

# --- scband reference (transcript-rebuilt; emitter-appended) ---
"""Pipeline reference for scband-temporal-conv-cell-50903952392624 (READ-ONLY COPY).

The authoritative reference and input builder live on the scoring server;
editing this copy changes nothing except your own understanding.
"""

import jax, jax.numpy as jnp
import numpy as np

N = 50000
E = 400000
IN_C = 16
HID = 16
EDGE_DIM = 4
K = 3
DILATIONS = (1, 2, 4)


def setup_inputs(seed: int = 0) -> dict:
    key = jax.random.key(seed)
    ks = jax.random.split(key, 20)
    inp = {}
    inp["x"] = jax.random.normal(ks[0], (N, IN_C), dtype=jnp.float32)
    inp["edge_index"] = jax.random.randint(ks[1], (2, E), 0, N, dtype=jnp.int32)
    inp["edge_attr"] = jax.random.normal(ks[2], (E, EDGE_DIM), dtype=jnp.float32)
    inp["h_prev"] = jax.random.normal(ks[3], (N, K, HID), dtype=jnp.float32)
    # edge nn: Linear(edge_dim,32) -> ReLU -> Linear(32, in_c*hid)
    inp["W1"] = jax.random.normal(ks[4], (32, EDGE_DIM), dtype=jnp.float32) * (1.0 / np.sqrt(EDGE_DIM))
    inp["b1"] = jnp.zeros((32,), dtype=jnp.float32)
    inp["W2"] = jax.random.normal(ks[5], (IN_C * HID, 32), dtype=jnp.float32) * (1.0 / np.sqrt(32))
    inp["b2"] = jnp.zeros((IN_C * HID,), dtype=jnp.float32)
    # NNConv root weight + bias
    inp["root"] = jax.random.normal(ks[6], (IN_C, HID), dtype=jnp.float32) * (1.0 / np.sqrt(IN_C))
    inp["root_bias"] = jnp.zeros((HID,), dtype=jnp.float32)
    # 3 dilated Conv1d layers [out,in,k]
    inp["tw1"] = jax.random.normal(ks[7], (HID, HID, K), dtype=jnp.float32) * (1.0 / np.sqrt(HID * K))
    inp["tb1"] = jnp.zeros((HID,), dtype=jnp.float32)
    inp["tw2"] = jax.random.normal(ks[8], (HID, HID, K), dtype=jnp.float32) * (1.0 / np.sqrt(HID * K))
    inp["tb2"] = jnp.zeros((HID,), dtype=jnp.float32)
    inp["tw3"] = jax.random.normal(ks[9], (HID, HID, K), dtype=jnp.float32) * (1.0 / np.sqrt(HID * K))
    inp["tb3"] = jnp.zeros((HID,), dtype=jnp.float32)
    # out_proj: Linear(hid*3, hid)
    inp["Wout"] = jax.random.normal(ks[10], (HID, HID * len(DILATIONS)), dtype=jnp.float32) * (1.0 / np.sqrt(HID * len(DILATIONS)))
    inp["bout"] = jnp.zeros((HID,), dtype=jnp.float32)
    return inp


def _conv1d(x, w, b, pad, dil):
    y = jax.lax.conv_general_dilated(
        x, w, window_strides=(1,), padding=[(pad, pad)], rhs_dilation=(dil,),
        dimension_numbers=("NCH", "OIH", "NCH"))
    return y + b[None, :, None]


def reference(x, edge_index, edge_attr, h_prev, W1, b1, W2, b2, root, root_bias,
              tw1, tb1, tw2, tb2, tw3, tb3, Wout, bout):
    src = edge_index[0]
    dst = edge_index[1]
    # edge-conditioned weights: nn_edge(edge_attr) -> [E, in_c, hid]
    e_h = jax.nn.relu(edge_attr @ W1.T + b1)
    w_e = (e_h @ W2.T + b2).reshape(E, IN_C, HID)
    # NNConv message: x_j @ W_e, mean aggregation at dst
    msg = jnp.einsum("ei,eio->eo", x[src], w_e)
    agg = jax.ops.segment_sum(msg, dst, num_segments=N)
    cnt = jax.ops.segment_sum(jnp.ones((E,), dtype=x.dtype), dst, num_segments=N)
    agg = agg / jnp.maximum(cnt, 1.0)[:, None]
    h_graph = jax.nn.relu(agg + x @ root + root_bias)
    # history update
    h_hist = jnp.concatenate([h_prev[:, 1:], h_graph[:, None, :]], axis=1)
    h_input = jnp.transpose(h_hist, (0, 2, 1))  # [N, hid, K]
    outs = []
    for (tw, tb, d) in ((tw1, tb1, DILATIONS[0]), (tw2, tb2, DILATIONS[1]), (tw3, tb3, DILATIONS[2])):
        pad = (K - 1) * d // 2
        y = _conv1d(h_input, tw, tb, pad, d)
        outs.append(y[:, :, -1])
    h_tcn_concat = jnp.concatenate(outs, axis=1)
    h_out = h_tcn_concat @ Wout.T + bout
    # dropout in eval mode: identity
    return (h_out, h_hist)

if __name__ == "__main__":
    import jax
    _d = setup_inputs()
    print(jax.jit(kernel)(*tuple(_d.values())))

</pallas_src>

<mosaic_0001>
#map = affine_map<(d0, d1) -> (0, 0)>
#map1 = affine_map<(d0, d1) -> (0, 0, 0)>
module attributes {stable_mosaic.version = 14 : i64} {
  func.func @k(%arg0: i32, %arg1: i32, %arg2: memref<50000x16xf32, #tpu.memory_space<hbm>>, %arg3: memref<3136x128xi32, #tpu.memory_space<hbm>>, %arg4: memref<3136x128x16xf32, #tpu.memory_space<hbm>>, %arg5: memref<14x128xi32, #tpu.memory_space<vmem>>, %arg6: memref<14x128x16xf32, #tpu.memory_space<vmem>>, %arg7: memref<!tpu.dma_semaphore, #tpu.memory_space<semaphore_mem>>) attributes {dimension_semantics = [#tpu.dimension_semantics<core_parallel>, #tpu.dimension_semantics<subcore_parallel>], iteration_bounds = array<i64: 2, 16>, scalar_prefetch = 0 : i64, scratch_operands = 3 : i64, tpu.core_type = #tpu.core_type<sc_vector_subcore>, window_params = [{transform_indices = #map}, {transform_indices = #map}, {transform_indices = #map1}]} {
    %mul3A = arith.constant 2 : i32
    %mul3A_0 = arith.muli %arg1, %mul3A : i32
    %add3A = arith.addi %mul3A_0, %arg0 : i32
    %mul3A_1 = arith.constant 98 : i32
    %mul3A_2 = arith.muli %add3A, %mul3A_1 : i32
    %scan3A = arith.constant 0 : i32
    %scan3A_3 = arith.constant 0 : i32
    %scan3A_4 = arith.constant 7 : i32
    %scan3A_5 = arith.addi %scan3A_3, %scan3A_4 : i32
    %scan3A_6 = arith.constant 1 : i32
    scf.for %scan3A_8 = %scan3A_3 to %scan3A_5 step %scan3A_6  : i32 {
      %mul3A_9 = arith.constant 14 : i32
      %mul3A_10 = arith.muli %scan3A_8, %mul3A_9 : i32
      %add3A_11 = arith.addi %mul3A_2, %mul3A_10 : i32
      "tpu.region"() ({
        %run_scoped3A = tpu.sem_alloc : memref<!tpu.dma_semaphore, #tpu.memory_space<semaphore_mem>>
        %dma_start3A_346 = arith.constant 0 : i32
        %dma_start3A_347 = tpu.memref_slice %arg3[%add3A_11, %dma_start3A_346] : memref<3136x128xi32, #tpu.memory_space<hbm>> -> memref<14x128xi32, #tpu.memory_space<hbm>>
        %dma_start3A_348 = arith.constant 0 : i32
        %dma_start3A_349 = tpu.memref_slice %arg3[%add3A_11, %dma_start3A_348] : memref<3136x128xi32, #tpu.memory_space<hbm>> -> memref<14x128xi32, #tpu.memory_space<hbm>>
        tpu.enqueue_dma source(%dma_start3A_349 : memref<14x128xi32, #tpu.memory_space<hbm>>) target(%arg5 : memref<14x128xi32, #tpu.memory_space<vmem>>) target_semaphore(%run_scoped3A : memref<!tpu.dma_semaphore, #tpu.memory_space<semaphore_mem>>)
        %dma_wait3A_350 = arith.constant 0 : i32
        %dma_wait3A_351 = tpu.memref_slice %arg3[%add3A_11, %dma_wait3A_350] : memref<3136x128xi32, #tpu.memory_space<hbm>> -> memref<14x128xi32, #tpu.memory_space<hbm>>
        %dma_wait3A_352 = arith.constant 0 : i32
        %dma_wait3A_353 = tpu.memref_slice %arg3[%add3A_11, %dma_wait3A_352] : memref<3136x128xi32, #tpu.memory_space<hbm>> -> memref<14x128xi32, #tpu.memory_space<hbm>>
        tpu.wait_dma2 semaphore(%run_scoped3A : memref<!tpu.dma_semaphore, #tpu.memory_space<semaphore_mem>>) src(%dma_wait3A_353 : memref<14x128xi32, #tpu.memory_space<hbm>>) dst(%arg5 : memref<14x128xi32, #tpu.memory_space<vmem>>)
        tpu.yield
      }) : () -> ()
      %dma_start3A = arith.constant 0 : i32
      %dma_start3A_12 = arith.constant 0 : i32
      %dma_start3A_13 = arith.constant 0 : i32
      %dma_start3A_14 = arith.constant 0 : i32
      %dma_start3A_15 = tpu.memref_slice %arg6[%dma_start3A_12, %dma_start3A_13, %dma_start3A_14] : memref<14x128x16xf32, #tpu.memory_space<vmem>> -> memref<1x128x16xf32, #tpu.memory_space<vmem>>
      %dma_start3A_16 = tpu.memref_squeeze %dma_start3A_15 : memref<1x128x16xf32, #tpu.memory_space<vmem>> -> memref<128x16xf32, #tpu.memory_space<vmem>>
      %dma_start3A_17 = arith.constant 0 : i32
      %dma_start3A_18 = tpu.memref_slice %arg5[%dma_start3A, %dma_start3A_17] : memref<14x128xi32, #tpu.memory_space<vmem>> -> memref<1x128xi32, #tpu.memory_space<vmem>>
      %dma_start3A_19 = tpu.memref_squeeze %dma_start3A_18 : memref<1x128xi32, #tpu.memory_space<vmem>> -> memref<128xi32, #tpu.memory_space<vmem>>
      %dma_start3A_20 = arith.constant 0 : i32
      %dma_start3A_21 = arith.constant 0 : i32
      %dma_start3A_22 = tpu.memref_slice %arg2[%dma_start3A_20, %dma_start3A_21] : memref<50000x16xf32, #tpu.memory_space<hbm>> -> memref<50000x16xf32, #tpu.memory_space<hbm>>
      tpu.enqueue_indirect_dma source(%dma_start3A_22 : memref<50000x16xf32, #tpu.memory_space<hbm>>) target(%dma_start3A_16 : memref<128x16xf32, #tpu.memory_space<vmem>>) offsets(%dma_start3A_19 : memref<128xi32, #tpu.memory_space<vmem>>) semaphore(%arg7 : memref<!tpu.dma_semaphore, #tpu.memory_space<semaphore_mem>>)
      %dma_start3A_23 = arith.constant 1 : i32
      %dma_start3A_24 = arith.constant 1 : i32
      %dma_start3A_25 = arith.constant 0 : i32
      %dma_start3A_26 = arith.constant 0 : i32
      %dma_start3A_27 = tpu.memref_slice %arg6[%dma_start3A_24, %dma_start3A_25, %dma_start3A_26] : memref<14x128x16xf32, #tpu.memory_space<vmem>> -> memref<1x128x16xf32, #tpu.memory_space<vmem>>
      %dma_start3A_28 = tpu.memref_squeeze %dma_start3A_27 : memref<1x128x16xf32, #tpu.memory_space<vmem>> -> memref<128x16xf32, #tpu.memory_space<vmem>>
      %dma_start3A_29 = arith.constant 0 : i32
      %dma_start3A_30 = tpu.memref_slice %arg5[%dma_start3A_23, %dma_start3A_29] : memref<14x128xi32, #tpu.memory_space<vmem>> -> memref<1x128xi32, #tpu.memory_space<vmem>>
      %dma_start3A_31 = tpu.memref_squeeze %dma_start3A_30 : memref<1x128xi32, #tpu.memory_space<vmem>> -> memref<128xi32, #tpu.memory_space<vmem>>
      %dma_start3A_32 = arith.constant 0 : i32
      %dma_start3A_33 = arith.constant 0 : i32
      %dma_start3A_34 = tpu.memref_slice %arg2[%dma_start3A_32, %dma_start3A_33] : memref<50000x16xf32, #tpu.memory_space<hbm>> -> memref<50000x16xf32, #tpu.memory_space<hbm>>
      tpu.enqueue_indirect_dma source(%dma_start3A_34 : memref<50000x16xf32, #tpu.memory_space<hbm>>) target(%dma_start3A_28 : memref<128x16xf32, #tpu.memory_space<vmem>>) offsets(%dma_start3A_31 : memref<128xi32, #tpu.memory_space<vmem>>) semaphore(%arg7 : memref<!tpu.dma_semaphore, #tpu.memory_space<semaphore_mem>>)
      %dma_start3A_35 = arith.constant 2 : i32
      %dma_start3A_36 = arith.constant 2 : i32
      %dma_start3A_37 = arith.constant 0 : i32
      %dma_start3A_38 = arith.constant 0 : i32
      %dma_start3A_39 = tpu.memref_slice %arg6[%dma_start3A_36, %dma_start3A_37, %dma_start3A_38] : memref<14x128x16xf32, #tpu.memory_space<vmem>> -> memref<1x128x16xf32, #tpu.memory_space<vmem>>
      %dma_start3A_40 = tpu.memref_squeeze %dma_start3A_39 : memref<1x128x16xf32, #tpu.memory_space<vmem>> -> memref<128x16xf32, #tpu.memory_space<vmem>>
      %dma_start3A_41 = arith.constant 0 : i32
      %dma_start3A_42 = tpu.memref_slice %arg5[%dma_start3A_35, %dma_start3A_41] : memref<14x128xi32, #tpu.memory_space<vmem>> -> memref<1x128xi32, #tpu.memory_space<vmem>>
      %dma_start3A_43 = tpu.memref_squeeze %dma_start3A_42 : memref<1x128xi32, #tpu.memory_space<vmem>> -> memref<128xi32, #tpu.memory_space<vmem>>
      %dma_start3A_44 = arith.constant 0 : i32
      %dma_start3A_45 = arith.constant 0 : i32
      %dma_start3A_46 = tpu.memref_slice %arg2[%dma_start3A_44, %dma_start3A_45] : memref<50000x16xf32, #tpu.memory_space<hbm>> -> memref<50000x16xf32, #tpu.memory_space<hbm>>
      tpu.enqueue_indirect_dma source(%dma_start3A_46 : memref<50000x16xf32, #tpu.memory_space<hbm>>) target(%dma_start3A_40 : memref<128x16xf32, #tpu.memory_space<vmem>>) offsets(%dma_start3A_43 : memref<128xi32, #tpu.memory_space<vmem>>) semaphore(%arg7 : memref<!tpu.dma_semaphore, #tpu.memory_space<semaphore_mem>>)
      %dma_start3A_47 = arith.constant 3 : i32
      %dma_start3A_48 = arith.constant 3 : i32
      %dma_start3A_49 = arith.constant 0 : i32
      %dma_start3A_50 = arith.constant 0 : i32
      %dma_start3A_51 = tpu.memref_slice %arg6[%dma_start3A_48, %dma_start3A_49, %dma_start3A_50] : memref<14x128x16xf32, #tpu.memory_space<vmem>> -> memref<1x128x16xf32, #tpu.memory_space<vmem>>
      %dma_start3A_52 = tpu.memref_squeeze %dma_start3A_51 : memref<1x128x16xf32, #tpu.memory_space<vmem>> -> memref<128x16xf32, #tpu.memory_space<vmem>>
      %dma_start3A_53 = arith.constant 0 : i32
      %dma_start3A_54 = tpu.memref_slice %arg5[%dma_start3A_47, %dma_start3A_53] : memref<14x128xi32, #tpu.memory_space<vmem>> -> memref<1x128xi32, #tpu.memory_space<vmem>>
      %dma_start3A_55 = tpu.memref_squeeze %dma_start3A_54 : memref<1x128xi32, #tpu.memory_space<vmem>> -> memref<128xi32, #tpu.memory_space<vmem>>
      %dma_start3A_56 = arith.constant 0 : i32
      %dma_start3A_57 = arith.constant 0 : i32
      %dma_start3A_58 = tpu.memref_slice %arg2[%dma_start3A_56, %dma_start3A_57] : memref<50000x16xf32, #tpu.memory_space<hbm>> -> memref<50000x16xf32, #tpu.memory_space<hbm>>
      tpu.enqueue_indirect_dma source(%dma_start3A_58 : memref<50000x16xf32, #tpu.memory_space<hbm>>) target(%dma_start3A_52 : memref<128x16xf32, #tpu.memory_space<vmem>>) offsets(%dma_start3A_55 : memref<128xi32, #tpu.memory_space<vmem>>) semaphore(%arg7 : memref<!tpu.dma_semaphore, #tpu.memory_space<semaphore_mem>>)
      %dma_start3A_59 = arith.constant 4 : i32
      %dma_start3A_60 = arith.constant 4 : i32
      %dma_start3A_61 = arith.constant 0 : i32
      %dma_start3A_62 = arith.constant 0 : i32
      %dma_start3A_63 = tpu.memref_slice %arg6[%dma_start3A_60, %dma_start3A_61, %dma_start3A_62] : memref<14x128x16xf32, #tpu.memory_space<vmem>> -> memref<1x128x16xf32, #tpu.memory_space<vmem>>
      %dma_start3A_64 = tpu.memref_squeeze %dma_start3A_63 : memref<1x128x16xf32, #tpu.memory_space<vmem>> -> memref<128x16xf32, #tpu.memory_space<vmem>>
      %dma_start3A_65 = arith.constant 0 : i32
      %dma_start3A_66 = tpu.memref_slice %arg5[%dma_start3A_59, %dma_start3A_65] : memref<14x128xi32, #tpu.memory_space<vmem>> -> memref<1x128xi32, #tpu.memory_space<vmem>>
      %dma_start3A_67 = tpu.memref_squeeze %dma_start3A_66 : memref<1x128xi32, #tpu.memory_space<vmem>> -> memref<128xi32, #tpu.memory_space<vmem>>
      %dma_start3A_68 = arith.constant 0 : i32
      %dma_start3A_69 = arith.constant 0 : i32
      %dma_start3A_70 = tpu.memref_slice %arg2[%dma_start3A_68, %dma_start3A_69] : memref<50000x16xf32, #tpu.memory_space<hbm>> -> memref<50000x16xf32, #tpu.memory_space<hbm>>
      tpu.enqueue_indirect_dma source(%dma_start3A_70 : memref<50000x16xf32, #tpu.memory_space<hbm>>) target(%dma_start3A_64 : memref<128x16xf32, #tpu.memory_space<vmem>>) offsets(%dma_start3A_67 : memref<128xi32, #tpu.memory_space<vmem>>) semaphore(%arg7 : memref<!tpu.dma_semaphore, #tpu.memory_space<semaphore_mem>>)
      %dma_start3A_71 = arith.constant 5 : i32
      %dma_start3A_72 = arith.constant 5 : i32
      %dma_start3A_73 = arith.constant 0 : i32
      %dma_start3A_74 = arith.constant 0 : i32
      %dma_start3A_75 = tpu.memref_slice %arg6[%dma_start3A_72, %dma_start3A_73, %dma_start3A_74] : memref<14x128x16xf32, #tpu.memory_space<vmem>> -> memref<1x128x16xf32, #tpu.memory_space<vmem>>
      %dma_start3A_76 = tpu.memref_squeeze %dma_start3A_75 : memref<1x128x16xf32, #tpu.memory_space<vmem>> -> memref<128x16xf32, #tpu.memory_space<vmem>>
      %dma_start3A_77 = arith.constant 0 : i32
      %dma_start3A_78 = tpu.memref_slice %arg5[%dma_start3A_71, %dma_start3A_77] : memref<14x128xi32, #tpu.memory_space<vmem>> -> memref<1x128xi32, #tpu.memory_space<vmem>>
      %dma_start3A_79 = tpu.memref_squeeze %dma_start3A_78 : memref<1x128xi32, #tpu.memory_space<vmem>> -> memref<128xi32, #tpu.memory_space<vmem>>
      %dma_start3A_80 = arith.constant 0 : i32
      %dma_start3A_81 = arith.constant 0 : i32
      %dma_start3A_82 = tpu.memref_slice %arg2[%dma_start3A_80, %dma_start3A_81] : memref<50000x16xf32, #tpu.memory_space<hbm>> -> memref<50000x16xf32, #tpu.memory_space<hbm>>
      tpu.enqueue_indirect_dma source(%dma_start3A_82 : memref<50000x16xf32, #tpu.memory_space<hbm>>) target(%dma_start3A_76 : memref<128x16xf32, #tpu.memory_space<vmem>>) offsets(%dma_start3A_79 : memref<128xi32, #tpu.memory_space<vmem>>) semaphore(%arg7 : memref<!tpu.dma_semaphore, #tpu.memory_space<semaphore_mem>>)
      %dma_start3A_83 = arith.constant 6 : i32
      %dma_start3A_84 = arith.constant 6 : i32
      %dma_start3A_85 = arith.constant 0 : i32
      %dma_start3A_86 = arith.constant 0 : i32
      %dma_start3A_87 = tpu.memref_slice %arg6[%dma_start3A_84, %dma_start3A_85, %dma_start3A_86] : memref<14x128x16xf32, #tpu.memory_space<vmem>> -> memref<1x128x16xf32, #tpu.memory_space<vmem>>
      %dma_start3A_88 = tpu.memref_squeeze %dma_start3A_87 : memref<1x128x16xf32, #tpu.memory_space<vmem>> -> memref<128x16xf32, #tpu.memory_space<vmem>>
      %dma_start3A_89 = arith.constant 0 : i32
      %dma_start3A_90 = tpu.memref_slice %arg5[%dma_start3A_83, %dma_start3A_89] : memref<14x128xi32, #tpu.memory_space<vmem>> -> memref<1x128xi32, #tpu.memory_space<vmem>>
      %dma_start3A_91 = tpu.memref_squeeze %dma_start3A_90 : memref<1x128xi32, #tpu.memory_space<vmem>> -> memref<128xi32, #tpu.memory_space<vmem>>
      %dma_start3A_92 = arith.constant 0 : i32
      %dma_start3A_93 = arith.constant 0 : i32
      %dma_start3A_94 = tpu.memref_slice %arg2[%dma_start3A_92, %dma_start3A_93] : memref<50000x16xf32, #tpu.memory_space<hbm>> -> memref<50000x16xf32, #tpu.memory_space<hbm>>
      tpu.enqueue_indirect_dma source(%dma_start3A_94 : memref<50000x16xf32, #tpu.memory_space<hbm>>) target(%dma_start3A_88 : memref<128x16xf32, #tpu.memory_space<vmem>>) offsets(%dma_start3A_91 : memref<128xi32, #tpu.memory_space<vmem>>) semaphore(%arg7 : memref<!tpu.dma_semaphore, #tpu.memory_space<semaphore_mem>>)
      %dma_start3A_95 = arith.constant 7 : i32
      %dma_start3A_96 = arith.constant 7 : i32
      %dma_start3A_97 = arith.constant 0 : i32
      %dma_start3A_98 = arith.constant 0 : i32
      %dma_start3A_99 = tpu.memref_slice %arg6[%dma_start3A_96, %dma_start3A_97, %dma_start3A_98] : memref<14x128x16xf32, #tpu.memory_space<vmem>> -> memref<1x128x16xf32, #tpu.memory_space<vmem>>
      %dma_start3A_100 = tpu.memref_squeeze %dma_start3A_99 : memref<1x128x16xf32, #tpu.memory_space<vmem>> -> memref<128x16xf32, #tpu.memory_space<vmem>>
      %dma_start3A_101 = arith.constant 0 : i32
      %dma_start3A_102 = tpu.memref_slice %arg5[%dma_start3A_95, %dma_start3A_101] : memref<14x128xi32, #tpu.memory_space<vmem>> -> memref<1x128xi32, #tpu.memory_space<vmem>>
      %dma_start3A_103 = tpu.memref_squeeze %dma_start3A_102 : memref<1x128xi32, #tpu.memory_space<vmem>> -> memref<128xi32, #tpu.memory_space<vmem>>
      %dma_start3A_104 = arith.constant 0 : i32
      %dma_start3A_105 = arith.constant 0 : i32
      %dma_start3A_106 = tpu.memref_slice %arg2[%dma_start3A_104, %dma_start3A_105] : memref<50000x16xf32, #tpu.memory_space<hbm>> -> memref<50000x16xf32, #tpu.memory_space<hbm>>
      tpu.enqueue_indirect_dma source(%dma_start3A_106 : memref<50000x16xf32, #tpu.memory_space<hbm>>) target(%dma_start3A_100 : memref<128x16xf32, #tpu.memory_space<vmem>>) offsets(%dma_start3A_103 : memref<128xi32, #tpu.memory_space<vmem>>) semaphore(%arg7 : memref<!tpu.dma_semaphore, #tpu.memory_space<semaphore_mem>>)
      %dma_start3A_107 = arith.constant 8 : i32
      %dma_start3A_108 = arith.constant 8 : i32
      %dma_start3A_109 = arith.constant 0 : i32
      %dma_start3A_110 = arith.constant 0 : i32
      %dma_start3A_111 = tpu.memref_slice %arg6[%dma_start3A_108, %dma_start3A_109, %dma_start3A_110] : memref<14x128x16xf32, #tpu.memory_space<vmem>> -> memref<1x128x16xf32, #tpu.memory_space<vmem>>
      %dma_start3A_112 = tpu.memref_squeeze %dma_start3A_111 : memref<1x128x16xf32, #tpu.memory_space<vmem>> -> memref<128x16xf32, #tpu.memory_space<vmem>>
      %dma_start3A_113 = arith.constant 0 : i32
      %dma_start3A_114 = tpu.memref_slice %arg5[%dma_start3A_107, %dma_start3A_113] : memref<14x128xi32, #tpu.memory_space<vmem>> -> memref<1x128xi32, #tpu.memory_space<vmem>>
      %dma_start3A_115 = tpu.memref_squeeze %dma_start3A_114 : memref<1x128xi32, #tpu.memory_space<vmem>> -> memref<128xi32, #tpu.memory_space<vmem>>
      %dma_start3A_116 = arith.constant 0 : i32
      %dma_start3A_117 = arith.constant 0 : i32
      %dma_start3A_118 = tpu.memref_slice %arg2[%dma_start3A_116, %dma_start3A_117] : memref<50000x16xf32, #tpu.memory_space<hbm>> -> memref<50000x16xf32, #tpu.memory_space<hbm>>
      tpu.enqueue_indirect_dma source(%dma_start3A_118 : memref<50000x16xf32, #tpu.memory_space<hbm>>) target(%dma_start3A_112 : memref<128x16xf32, #tpu.memory_space<vmem>>) offsets(%dma_start3A_115 : memref<128xi32, #tpu.memory_space<vmem>>) semaphore(%arg7 : memref<!tpu.dma_semaphore, #tpu.memory_space<semaphore_mem>>)
      %dma_start3A_119 = arith.constant 9 : i32
      %dma_start3A_120 = arith.constant 9 : i32
      %dma_start3A_121 = arith.constant 0 : i32
      %dma_start3A_122 = arith.constant 0 : i32
      %dma_start3A_123 = tpu.memref_slice %arg6[%dma_start3A_120, %dma_start3A_121, %dma_start3A_122] : memref<14x128x16xf32, #tpu.memory_space<vmem>> -> memref<1x128x16xf32, #tpu.memory_space<vmem>>
      %dma_start3A_124 = tpu.memref_squeeze %dma_start3A_123 : memref<1x128x16xf32, #tpu.memory_space<vmem>> -> memref<128x16xf32, #tpu.memory_space<vmem>>
      %dma_start3A_125 = arith.constant 0 : i32
      %dma_start3A_126 = tpu.memref_slice %arg5[%dma_start3A_119, %dma_start3A_125] : memref<14x128xi32, #tpu.memory_space<vmem>> -> memref<1x128xi32, #tpu.memory_space<vmem>>
      %dma_start3A_127 = tpu.memref_squeeze %dma_start3A_126 : memref<1x128xi32, #tpu.memory_space<vmem>> -> memref<128xi32, #tpu.memory_space<vmem>>
      %dma_start3A_128 = arith.constant 0 : i32
      %dma_start3A_129 = arith.constant 0 : i32
      %dma_start3A_130 = tpu.memref_slice %arg2[%dma_start3A_128, %dma_start3A_129] : memref<50000x16xf32, #tpu.memory_space<hbm>> -> memref<50000x16xf32, #tpu.memory_space<hbm>>
      tpu.enqueue_indirect_dma source(%dma_start3A_130 : memref<50000x16xf32, #tpu.memory_space<hbm>>) target(%dma_start3A_124 : memref<128x16xf32, #tpu.memory_space<vmem>>) offsets(%dma_start3A_127 : memref<128xi32, #tpu.memory_space<vmem>>) semaphore(%arg7 : memref<!tpu.dma_semaphore, #tpu.memory_space<semaphore_mem>>)
      %dma_start3A_131 = arith.constant 10 : i32
      %dma_start3A_132 = arith.constant 10 : i32
      %dma_start3A_133 = arith.constant 0 : i32
      %dma_start3A_134 = arith.constant 0 : i32
      %dma_start3A_135 = tpu.memref_slice %arg6[%dma_start3A_132, %dma_start3A_133, %dma_start3A_134] : memref<14x128x16xf32, #tpu.memory_space<vmem>> -> memref<1x128x16xf32, #tpu.memory_space<vmem>>
      %dma_start3A_136 = tpu.memref_squeeze %dma_start3A_135 : memref<1x128x16xf32, #tpu.memory_space<vmem>> -> memref<128x16xf32, #tpu.memory_space<vmem>>
      %dma_start3A_137 = arith.constant 0 : i32
      %dma_start3A_138 = tpu.memref_slice %arg5[%dma_start3A_131, %dma_start3A_137] : memref<14x128xi32, #tpu.memory_space<vmem>> -> memref<1x128xi32, #tpu.memory_space<vmem>>
      %dma_start3A_139 = tpu.memref_squeeze %dma_start3A_138 : memref<1x128xi32, #tpu.memory_space<vmem>> -> memref<128xi32, #tpu.memory_space<vmem>>
      %dma_start3A_140 = arith.constant 0 : i32
      %dma_start3A_141 = arith.constant 0 : i32
      %dma_start3A_142 = tpu.memref_slice %arg2[%dma_start3A_140, %dma_start3A_141] : memref<50000x16xf32, #tpu.memory_space<hbm>> -> memref<50000x16xf32, #tpu.memory_space<hbm>>
      tpu.enqueue_indirect_dma source(%dma_start3A_142 : memref<50000x16xf32, #tpu.memory_space<hbm>>) target(%dma_start3A_136 : memref<128x16xf32, #tpu.memory_space<vmem>>) offsets(%dma_start3A_139 : memref<128xi32, #tpu.memory_space<vmem>>) semaphore(%arg7 : memref<!tpu.dma_semaphore, #tpu.memory_space<semaphore_mem>>)
      %dma_start3A_143 = arith.constant 11 : i32
      %dma_start3A_144 = arith.constant 11 : i32
      %dma_start3A_145 = arith.constant 0 : i32
      %dma_start3A_146 = arith.constant 0 : i32
      %dma_start3A_147 = tpu.memref_slice %arg6[%dma_start3A_144, %dma_start3A_145, %dma_start3A_146] : memref<14x128x16xf32, #tpu.memory_space<vmem>> -> memref<1x128x16xf32, #tpu.memory_space<vmem>>
      %dma_start3A_148 = tpu.memref_squeeze %dma_start3A_147 : memref<1x128x16xf32, #tpu.memory_space<vmem>> -> memref<128x16xf32, #tpu.memory_space<vmem>>
      %dma_start3A_149 = arith.constant 0 : i32
      %dma_start3A_150 = tpu.memref_slice %arg5[%dma_start3A_143, %dma_start3A_149] : memref<14x128xi32, #tpu.memory_space<vmem>> -> memref<1x128xi32, #tpu.memory_space<vmem>>
      %dma_start3A_151 = tpu.memref_squeeze %dma_start3A_150 : memref<1x128xi32, #tpu.memory_space<vmem>> -> memref<128xi32, #tpu.memory_space<vmem>>
      %dma_start3A_152 = arith.constant 0 : i32
      %dma_start3A_153 = arith.constant 0 : i32
      %dma_start3A_154 = tpu.memref_slice %arg2[%dma_start3A_152, %dma_start3A_153] : memref<50000x16xf32, #tpu.memory_space<hbm>> -> memref<50000x16xf32, #tpu.memory_space<hbm>>
      tpu.enqueue_indirect_dma source(%dma_start3A_154 : memref<50000x16xf32, #tpu.memory_space<hbm>>) target(%dma_start3A_148 : memref<128x16xf32, #tpu.memory_space<vmem>>) offsets(%dma_start3A_151 : memref<128xi32, #tpu.memory_space<vmem>>) semaphore(%arg7 : memref<!tpu.dma_semaphore, #tpu.memory_space<semaphore_mem>>)
      %dma_start3A_155 = arith.constant 12 : i32
      %dma_start3A_156 = arith.constant 12 : i32
      %dma_start3A_157 = arith.constant 0 : i32
      %dma_start3A_158 = arith.constant 0 : i32
      %dma_start3A_159 = tpu.memref_slice %arg6[%dma_start3A_156, %dma_start3A_157, %dma_start3A_158] : memref<14x128x16xf32, #tpu.memory_space<vmem>> -> memref<1x128x16xf32, #tpu.memory_space<vmem>>
      %dma_start3A_160 = tpu.memref_squeeze %dma_start3A_159 : memref<1x128x16xf32, #tpu.memory_space<vmem>> -> memref<128x16xf32, #tpu.memory_space<vmem>>
      %dma_start3A_161 = arith.constant 0 : i32
      %dma_start3A_162 = tpu.memref_slice %arg5[%dma_start3A_155, %dma_start3A_161] : memref<14x128xi32, #tpu.memory_space<vmem>> -> memref<1x128xi32, #tpu.memory_space<vmem>>
      %dma_start3A_163 = tpu.memref_squeeze %dma_start3A_162 : memref<1x128xi32, #tpu.memory_space<vmem>> -> memref<128xi32, #tpu.memory_space<vmem>>
      %dma_start3A_164 = arith.constant 0 : i32
      %dma_start3A_165 = arith.constant 0 : i32
      %dma_start3A_166 = tpu.memref_slice %arg2[%dma_start3A_164, %dma_start3A_165] : memref<50000x16xf32, #tpu.memory_space<hbm>> -> memref<50000x16xf32, #tpu.memory_space<hbm>>
      tpu.enqueue_indirect_dma source(%dma_start3A_166 : memref<50000x16xf32, #tpu.memory_space<hbm>>) target(%dma_start3A_160 : memref<128x16xf32, #tpu.memory_space<vmem>>) offsets(%dma_start3A_163 : memref<128xi32, #tpu.memory_space<vmem>>) semaphore(%arg7 : memref<!tpu.dma_semaphore, #tpu.memory_space<semaphore_mem>>)
      %dma_start3A_167 = arith.constant 13 : i32
      %dma_start3A_168 = arith.constant 13 : i32
      %dma_start3A_169 = arith.constant 0 : i32
      %dma_start3A_170 = arith.constant 0 : i32
      %dma_start3A_171 = tpu.memref_slice %arg6[%dma_start3A_168, %dma_start3A_169, %dma_start3A_170] : memref<14x128x16xf32, #tpu.memory_space<vmem>> -> memref<1x128x16xf32, #tpu.memory_space<vmem>>
      %dma_start3A_172 = tpu.memref_squeeze %dma_start3A_171 : memref<1x128x16xf32, #tpu.memory_space<vmem>> -> memref<128x16xf32, #tpu.memory_space<vmem>>
      %dma_start3A_173 = arith.constant 0 : i32
      %dma_start3A_174 = tpu.memref_slice %arg5[%dma_start3A_167, %dma_start3A_173] : memref<14x128xi32, #tpu.memory_space<vmem>> -> memref<1x128xi32, #tpu.memory_space<vmem>>
      %dma_start3A_175 = tpu.memref_squeeze %dma_start3A_174 : memref<1x128xi32, #tpu.memory_space<vmem>> -> memref<128xi32, #tpu.memory_space<vmem>>
      %dma_start3A_176 = arith.constant 0 : i32
      %dma_start3A_177 = arith.constant 0 : i32
      %dma_start3A_178 = tpu.memref_slice %arg2[%dma_start3A_176, %dma_start3A_177] : memref<50000x16xf32, #tpu.memory_space<hbm>> -> memref<50000x16xf32, #tpu.memory_space<hbm>>
      tpu.enqueue_indirect_dma source(%dma_start3A_178 : memref<50000x16xf32, #tpu.memory_space<hbm>>) target(%dma_start3A_172 : memref<128x16xf32, #tpu.memory_space<vmem>>) offsets(%dma_start3A_175 : memref<128xi32, #tpu.memory_space<vmem>>) semaphore(%arg7 : memref<!tpu.dma_semaphore, #tpu.memory_space<semaphore_mem>>)
      %dma_wait3A = arith.constant 0 : i32
      %dma_wait3A_179 = arith.constant 0 : i32
      %dma_wait3A_180 = arith.constant 0 : i32
      %dma_wait3A_181 = arith.constant 0 : i32
      %dma_wait3A_182 = tpu.memref_slice %arg6[%dma_wait3A_179, %dma_wait3A_180, %dma_wait3A_181] : memref<14x128x16xf32, #tpu.memory_space<vmem>> -> memref<1x128x16xf32, #tpu.memory_space<vmem>>
      %dma_wait3A_183 = tpu.memref_squeeze %dma_wait3A_182 : memref<1x128x16xf32, #tpu.memory_space<vmem>> -> memref<128x16xf32, #tpu.memory_space<vmem>>
      %dma_wait3A_184 = arith.constant 0 : i32
      %dma_wait3A_185 = tpu.memref_slice %arg5[%dma_wait3A, %dma_wait3A_184] : memref<14x128xi32, #tpu.memory_space<vmem>> -> memref<1x128xi32, #tpu.memory_space<vmem>>
      %dma_wait3A_186 = tpu.memref_squeeze %dma_wait3A_185 : memref<1x128xi32, #tpu.memory_space<vmem>> -> memref<128xi32, #tpu.memory_space<vmem>>
      %dma_wait3A_187 = arith.constant 0 : i32
      %dma_wait3A_188 = arith.constant 0 : i32
      %dma_wait3A_189 = tpu.memref_slice %arg2[%dma_wait3A_187, %dma_wait3A_188] : memref<50000x16xf32, #tpu.memory_space<hbm>> -> memref<50000x16xf32, #tpu.memory_space<hbm>>
      tpu.wait_indirect_dma semaphore(%arg7 : memref<!tpu.dma_semaphore, #tpu.memory_space<semaphore_mem>>) src(%dma_wait3A_189 : memref<50000x16xf32, #tpu.memory_space<hbm>>) dst(%dma_wait3A_183 : memref<128x16xf32, #tpu.memory_space<vmem>>)
      %dma_wait3A_190 = arith.constant 1 : i32
      %dma_wait3A_191 = arith.constant 1 : i32
      %dma_wait3A_192 = arith.constant 0 : i32
      %dma_wait3A_193 = arith.constant 0 : i32
      %dma_wait3A_194 = tpu.memref_slice %arg6[%dma_wait3A_191, %dma_wait3A_192, %dma_wait3A_193] : memref<14x128x16xf32, #tpu.memory_space<vmem>> -> memref<1x128x16xf32, #tpu.memory_space<vmem>>
      %dma_wait3A_195 = tpu.memref_squeeze %dma_wait3A_194 : memref<1x128x16xf32, #tpu.memory_space<vmem>> -> memref<128x16xf32, #tpu.memory_space<vmem>>
      %dma_wait3A_196 = arith.constant 0 : i32
      %dma_wait3A_197 = tpu.memref_slice %arg5[%dma_wait3A_190, %dma_wait3A_196] : memref<14x128xi32, #tpu.memory_space<vmem>> -> memref<1x128xi32, #tpu.memory_space<vmem>>
      %dma_wait3A_198 = tpu.memref_squeeze %dma_wait3A_197 : memref<1x128xi32, #tpu.memory_space<vmem>> -> memref<128xi32, #tpu.memory_space<vmem>>
      %dma_wait3A_199 = arith.constant 0 : i32
      %dma_wait3A_200 = arith.constant 0 : i32
      %dma_wait3A_201 = tpu.memref_slice %arg2[%dma_wait3A_199, %dma_wait3A_200] : memref<50000x16xf32, #tpu.memory_space<hbm>> -> memref<50000x16xf32, #tpu.memory_space<hbm>>
      tpu.wait_indirect_dma semaphore(%arg7 : memref<!tpu.dma_semaphore, #tpu.memory_space<semaphore_mem>>) src(%dma_wait3A_201 : memref<50000x16xf32, #tpu.memory_space<hbm>>) dst(%dma_wait3A_195 : memref<128x16xf32, #tpu.memory_space<vmem>>)
      %dma_wait3A_202 = arith.constant 2 : i32
      %dma_wait3A_203 = arith.constant 2 : i32
      %dma_wait3A_204 = arith.constant 0 : i32
      %dma_wait3A_205 = arith.constant 0 : i32
      %dma_wait3A_206 = tpu.memref_slice %arg6[%dma_wait3A_203, %dma_wait3A_204, %dma_wait3A_205] : memref<14x128x16xf32, #tpu.memory_space<vmem>> -> memref<1x128x16xf32, #tpu.memory_space<vmem>>
      %dma_wait3A_207 = tpu.memref_squeeze %dma_wait3A_206 : memref<1x128x16xf32, #tpu.memory_space<vmem>> -> memref<128x16xf32, #tpu.memory_space<vmem>>
      %dma_wait3A_208 = arith.constant 0 : i32
      %dma_wait3A_209 = tpu.memref_slice %arg5[%dma_wait3A_202, %dma_wait3A_208] : memref<14x128xi32, #tpu.memory_space<vmem>> -> memref<1x128xi32, #tpu.memory_space<vmem>>
      %dma_wait3A_210 = tpu.memref_squeeze %dma_wait3A_209 : memref<1x128xi32, #tpu.memory_space<vmem>> -> memref<128xi32, #tpu.memory_space<vmem>>
      %dma_wait3A_211 = arith.constant 0 : i32
      %dma_wait3A_212 = arith.constant 0 : i32
      %dma_wait3A_213 = tpu.memref_slice %arg2[%dma_wait3A_211, %dma_wait3A_212] : memref<50000x16xf32, #tpu.memory_space<hbm>> -> memref<50000x16xf32, #tpu.memory_space<hbm>>
      tpu.wait_indirect_dma semaphore(%arg7 : memref<!tpu.dma_semaphore, #tpu.memory_space<semaphore_mem>>) src(%dma_wait3A_213 : memref<50000x16xf32, #tpu.memory_space<hbm>>) dst(%dma_wait3A_207 : memref<128x16xf32, #tpu.memory_space<vmem>>)
      %dma_wait3A_214 = arith.constant 3 : i32
      %dma_wait3A_215 = arith.constant 3 : i32
      %dma_wait3A_216 = arith.constant 0 : i32
      %dma_wait3A_217 = arith.constant 0 : i32
      %dma_wait3A_218 = tpu.memref_slice %arg6[%dma_wait3A_215, %dma_wait3A_216, %dma_wait3A_217] : memref<14x128x16xf32, #tpu.memory_space<vmem>> -> memref<1x128x16xf32, #tpu.memory_space<vmem>>
      %dma_wait3A_219 = tpu.memref_squeeze %dma_wait3A_218 : memref<1x128x16xf32, #tpu.memory_space<vmem>> -> memref<128x16xf32, #tpu.memory_space<vmem>>
      %dma_wait3A_220 = arith.constant 0 : i32
      %dma_wait3A_221 = tpu.memref_slice %arg5[%dma_wait3A_214, %dma_wait3A_220] : memref<14x128xi32, #tpu.memory_space<vmem>> -> memref<1x128xi32, #tpu.memory_space<vmem>>
      %dma_wait3A_222 = tpu.memref_squeeze %dma_wait3A_221 : memref<1x128xi32, #tpu.memory_space<vmem>> -> memref<128xi32, #tpu.memory_space<vmem>>
      %dma_wait3A_223 = arith.constant 0 : i32
      %dma_wait3A_224 = arith.constant 0 : i32
      %dma_wait3A_225 = tpu.memref_slice %arg2[%dma_wait3A_223, %dma_wait3A_224] : memref<50000x16xf32, #tpu.memory_space<hbm>> -> memref<50000x16xf32, #tpu.memory_space<hbm>>
      tpu.wait_indirect_dma semaphore(%arg7 : memref<!tpu.dma_semaphore, #tpu.memory_space<semaphore_mem>>) src(%dma_wait3A_225 : memref<50000x16xf32, #tpu.memory_space<hbm>>) dst(%dma_wait3A_219 : memref<128x16xf32, #tpu.memory_space<vmem>>)
      %dma_wait3A_226 = arith.constant 4 : i32
      %dma_wait3A_227 = arith.constant 4 : i32
      %dma_wait3A_228 = arith.constant 0 : i32
      %dma_wait3A_229 = arith.constant 0 : i32
      %dma_wait3A_230 = tpu.memref_slice %arg6[%dma_wait3A_227, %dma_wait3A_228, %dma_wait3A_229] : memref<14x128x16xf32, #tpu.memory_space<vmem>> -> memref<1x128x16xf32, #tpu.memory_space<vmem>>
      %dma_wait3A_231 = tpu.memref_squeeze %dma_wait3A_230 : memref<1x128x16xf32, #tpu.memory_space<vmem>> -> memref<128x16xf32, #tpu.memory_space<vmem>>
      %dma_wait3A_232 = arith.constant 0 : i32
      %dma_wait3A_233 = tpu.memref_slice %arg5[%dma_wait3A_226, %dma_wait3A_232] : memref<14x128xi32, #tpu.memory_space<vmem>> -> memref<1x128xi32, #tpu.memory_space<vmem>>
      %dma_wait3A_234 = tpu.memref_squeeze %dma_wait3A_233 : memref<1x128xi32, #tpu.memory_space<vmem>> -> memref<128xi32, #tpu.memory_space<vmem>>
      %dma_wait3A_235 = arith.constant 0 : i32
      %dma_wait3A_236 = arith.constant 0 : i32
      %dma_wait3A_237 = tpu.memref_slice %arg2[%dma_wait3A_235, %dma_wait3A_236] : memref<50000x16xf32, #tpu.memory_space<hbm>> -> memref<50000x16xf32, #tpu.memory_space<hbm>>
      tpu.wait_indirect_dma semaphore(%arg7 : memref<!tpu.dma_semaphore, #tpu.memory_space<semaphore_mem>>) src(%dma_wait3A_237 : memref<50000x16xf32, #tpu.memory_space<hbm>>) dst(%dma_wait3A_231 : memref<128x16xf32, #tpu.memory_space<vmem>>)
      %dma_wait3A_238 = arith.constant 5 : i32
      %dma_wait3A_239 = arith.constant 5 : i32
      %dma_wait3A_240 = arith.constant 0 : i32
      %dma_wait3A_241 = arith.constant 0 : i32
      %dma_wait3A_242 = tpu.memref_slice %arg6[%dma_wait3A_239, %dma_wait3A_240, %dma_wait3A_241] : memref<14x128x16xf32, #tpu.memory_space<vmem>> -> memref<1x128x16xf32, #tpu.memory_space<vmem>>
      %dma_wait3A_243 = tpu.memref_squeeze %dma_wait3A_242 : memref<1x128x16xf32, #tpu.memory_space<vmem>> -> memref<128x16xf32, #tpu.memory_space<vmem>>
      %dma_wait3A_244 = arith.constant 0 : i32
      %dma_wait3A_245 = tpu.memref_slice %arg5[%dma_wait3A_238, %dma_wait3A_244] : memref<14x128xi32, #tpu.memory_space<vmem>> -> memref<1x128xi32, #tpu.memory_space<vmem>>
      %dma_wait3A_246 = tpu.memref_squeeze %dma_wait3A_245 : memref<1x128xi32, #tpu.memory_space<vmem>> -> memref<128xi32, #tpu.memory_space<vmem>>
      %dma_wait3A_247 = arith.constant 0 : i32
      %dma_wait3A_248 = arith.constant 0 : i32
      %dma_wait3A_249 = tpu.memref_slice %arg2[%dma_wait3A_247, %dma_wait3A_248] : memref<50000x16xf32, #tpu.memory_space<hbm>> -> memref<50000x16xf32, #tpu.memory_space<hbm>>
      tpu.wait_indirect_dma semaphore(%arg7 : memref<!tpu.dma_semaphore, #tpu.memory_space<semaphore_mem>>) src(%dma_wait3A_249 : memref<50000x16xf32, #tpu.memory_space<hbm>>) dst(%dma_wait3A_243 : memref<128x16xf32, #tpu.memory_space<vmem>>)
      %dma_wait3A_250 = arith.constant 6 : i32
      %dma_wait3A_251 = arith.constant 6 : i32
      %dma_wait3A_252 = arith.constant 0 : i32
      %dma_wait3A_253 = arith.constant 0 : i32
      %dma_wait3A_254 = tpu.memref_slice %arg6[%dma_wait3A_251, %dma_wait3A_252, %dma_wait3A_253] : memref<14x128x16xf32, #tpu.memory_space<vmem>> -> memref<1x128x16xf32, #tpu.memory_space<vmem>>
      %dma_wait3A_255 = tpu.memref_squeeze %dma_wait3A_254 : memref<1x128x16xf32, #tpu.memory_space<vmem>> -> memref<128x16xf32, #tpu.memory_space<vmem>>
      %dma_wait3A_256 = arith.constant 0 : i32
      %dma_wait3A_257 = tpu.memref_slice %arg5[%dma_wait3A_250, %dma_wait3A_256] : memref<14x128xi32, #tpu.memory_space<vmem>> -> memref<1x128xi32, #tpu.memory_space<vmem>>
      %dma_wait3A_258 = tpu.memref_squeeze %dma_wait3A_257 : memref<1x128xi32, #tpu.memory_space<vmem>> -> memref<128xi32, #tpu.memory_space<vmem>>
      %dma_wait3A_259 = arith.constant 0 : i32
      %dma_wait3A_260 = arith.constant 0 : i32
      %dma_wait3A_261 = tpu.memref_slice %arg2[%dma_wait3A_259, %dma_wait3A_260] : memref<50000x16xf32, #tpu.memory_space<hbm>> -> memref<50000x16xf32, #tpu.memory_space<hbm>>
      tpu.wait_indirect_dma semaphore(%arg7 : memref<!tpu.dma_semaphore, #tpu.memory_space<semaphore_mem>>) src(%dma_wait3A_261 : memref<50000x16xf32, #tpu.memory_space<hbm>>) dst(%dma_wait3A_255 : memref<128x16xf32, #tpu.memory_space<vmem>>)
      %dma_wait3A_262 = arith.constant 7 : i32
      %dma_wait3A_263 = arith.constant 7 : i32
      %dma_wait3A_264 = arith.constant 0 : i32
      %dma_wait3A_265 = arith.constant 0 : i32
      %dma_wait3A_266 = tpu.memref_slice %arg6[%dma_wait3A_263, %dma_wait3A_264, %dma_wait3A_265] : memref<14x128x16xf32, #tpu.memory_space<vmem>> -> memref<1x128x16xf32, #tpu.memory_space<vmem>>
      %dma_wait3A_267 = tpu.memref_squeeze %dma_wait3A_266 : memref<1x128x16xf32, #tpu.memory_space<vmem>> -> memref<128x16xf32, #tpu.memory_space<vmem>>
      %dma_wait3A_268 = arith.constant 0 : i32
      %dma_wait3A_269 = tpu.memref_slice %arg5[%dma_wait3A_262, %dma_wait3A_268] : memref<14x128xi32, #tpu.memory_space<vmem>> -> memref<1x128xi32, #tpu.memory_space<vmem>>
      %dma_wait3A_270 = tpu.memref_squeeze %dma_wait3A_269 : memref<1x128xi32, #tpu.memory_space<vmem>> -> memref<128xi32, #tpu.memory_space<vmem>>
      %dma_wait3A_271 = arith.constant 0 : i32
      %dma_wait3A_272 = arith.constant 0 : i32
      %dma_wait3A_273 = tpu.memref_slice %arg2[%dma_wait3A_271, %dma_wait3A_272] : memref<50000x16xf32, #tpu.memory_space<hbm>> -> memref<50000x16xf32, #tpu.memory_space<hbm>>
      tpu.wait_indirect_dma semaphore(%arg7 : memref<!tpu.dma_semaphore, #tpu.memory_space<semaphore_mem>>) src(%dma_wait3A_273 : memref<50000x16xf32, #tpu.memory_space<hbm>>) dst(%dma_wait3A_267 : memref<128x16xf32, #tpu.memory_space<vmem>>)
      %dma_wait3A_274 = arith.constant 8 : i32
      %dma_wait3A_275 = arith.constant 8 : i32
      %dma_wait3A_276 = arith.constant 0 : i32
      %dma_wait3A_277 = arith.constant 0 : i32
      %dma_wait3A_278 = tpu.memref_slice %arg6[%dma_wait3A_275, %dma_wait3A_276, %dma_wait3A_277] : memref<14x128x16xf32, #tpu.memory_space<vmem>> -> memref<1x128x16xf32, #tpu.memory_space<vmem>>
      %dma_wait3A_279 = tpu.memref_squeeze %dma_wait3A_278 : memref<1x128x16xf32, #tpu.memory_space<vmem>> -> memref<128x16xf32, #tpu.memory_space<vmem>>
      %dma_wait3A_280 = arith.constant 0 : i32
      %dma_wait3A_281 = tpu.memref_slice %arg5[%dma_wait3A_274, %dma_wait3A_280] : memref<14x128xi32, #tpu.memory_space<vmem>> -> memref<1x128xi32, #tpu.memory_space<vmem>>
      %dma_wait3A_282 = tpu.memref_squeeze %dma_wait3A_281 : memref<1x128xi32, #tpu.memory_space<vmem>> -> memref<128xi32, #tpu.memory_space<vmem>>
      %dma_wait3A_283 = arith.constant 0 : i32
      %dma_wait3A_284 = arith.constant 0 : i32
      %dma_wait3A_285 = tpu.memref_slice %arg2[%dma_wait3A_283, %dma_wait3A_284] : memref<50000x16xf32, #tpu.memory_space<hbm>> -> memref<50000x16xf32, #tpu.memory_space<hbm>>
      tpu.wait_indirect_dma semaphore(%arg7 : memref<!tpu.dma_semaphore, #tpu.memory_space<semaphore_mem>>) src(%dma_wait3A_285 : memref<50000x16xf32, #tpu.memory_space<hbm>>) dst(%dma_wait3A_279 : memref<128x16xf32, #tpu.memory_space<vmem>>)
      %dma_wait3A_286 = arith.constant 9 : i32
      %dma_wait3A_287 = arith.constant 9 : i32
      %dma_wait3A_288 = arith.constant 0 : i32
      %dma_wait3A_289 = arith.constant 0 : i32
      %dma_wait3A_290 = tpu.memref_slice %arg6[%dma_wait3A_287, %dma_wait3A_288, %dma_wait3A_289] : memref<14x128x16xf32, #tpu.memory_space<vmem>> -> memref<1x128x16xf32, #tpu.memory_space<vmem>>
      %dma_wait3A_291 = tpu.memref_squeeze %dma_wait3A_290 : memref<1x128x16xf32, #tpu.memory_space<vmem>> -> memref<128x16xf32, #tpu.memory_space<vmem>>
      %dma_wait3A_292 = arith.constant 0 : i32
      %dma_wait3A_293 = tpu.memref_slice %arg5[%dma_wait3A_286, %dma_wait3A_292] : memref<14x128xi32, #tpu.memory_space<vmem>> -> memref<1x128xi32, #tpu.memory_space<vmem>>
      %dma_wait3A_294 = tpu.memref_squeeze %dma_wait3A_293 : memref<1x128xi32, #tpu.memory_space<vmem>> -> memref<128xi32, #tpu.memory_space<vmem>>
      %dma_wait3A_295 = arith.constant 0 : i32
      %dma_wait3A_296 = arith.constant 0 : i32
      %dma_wait3A_297 = tpu.memref_slice %arg2[%dma_wait3A_295, %dma_wait3A_296] : memref<50000x16xf32, #tpu.memory_space<hbm>> -> memref<50000x16xf32, #tpu.memory_space<hbm>>
      tpu.wait_indirect_dma semaphore(%arg7 : memref<!tpu.dma_semaphore, #tpu.memory_space<semaphore_mem>>) src(%dma_wait3A_297 : memref<50000x16xf32, #tpu.memory_space<hbm>>) dst(%dma_wait3A_291 : memref<128x16xf32, #tpu.memory_space<vmem>>)
      %dma_wait3A_298 = arith.constant 10 : i32
      %dma_wait3A_299 = arith.constant 10 : i32
      %dma_wait3A_300 = arith.constant 0 : i32
      %dma_wait3A_301 = arith.constant 0 : i32
      %dma_wait3A_302 = tpu.memref_slice %arg6[%dma_wait3A_299, %dma_wait3A_300, %dma_wait3A_301] : memref<14x128x16xf32, #tpu.memory_space<vmem>> -> memref<1x128x16xf32, #tpu.memory_space<vmem>>
      %dma_wait3A_303 = tpu.memref_squeeze %dma_wait3A_302 : memref<1x128x16xf32, #tpu.memory_space<vmem>> -> memref<128x16xf32, #tpu.memory_space<vmem>>
      %dma_wait3A_304 = arith.constant 0 : i32
      %dma_wait3A_305 = tpu.memref_slice %arg5[%dma_wait3A_298, %dma_wait3A_304] : memref<14x128xi32, #tpu.memory_space<vmem>> -> memref<1x128xi32, #tpu.memory_space<vmem>>
      %dma_wait3A_306 = tpu.memref_squeeze %dma_wait3A_305 : memref<1x128xi32, #tpu.memory_space<vmem>> -> memref<128xi32, #tpu.memory_space<vmem>>
      %dma_wait3A_307 = arith.constant 0 : i32
      %dma_wait3A_308 = arith.constant 0 : i32
      %dma_wait3A_309 = tpu.memref_slice %arg2[%dma_wait3A_307, %dma_wait3A_308] : memref<50000x16xf32, #tpu.memory_space<hbm>> -> memref<50000x16xf32, #tpu.memory_space<hbm>>
      tpu.wait_indirect_dma semaphore(%arg7 : memref<!tpu.dma_semaphore, #tpu.memory_space<semaphore_mem>>) src(%dma_wait3A_309 : memref<50000x16xf32, #tpu.memory_space<hbm>>) dst(%dma_wait3A_303 : memref<128x16xf32, #tpu.memory_space<vmem>>)
      %dma_wait3A_310 = arith.constant 11 : i32
      %dma_wait3A_311 = arith.constant 11 : i32
      %dma_wait3A_312 = arith.constant 0 : i32
      %dma_wait3A_313 = arith.constant 0 : i32
      %dma_wait3A_314 = tpu.memref_slice %arg6[%dma_wait3A_311, %dma_wait3A_312, %dma_wait3A_313] : memref<14x128x16xf32, #tpu.memory_space<vmem>> -> memref<1x128x16xf32, #tpu.memory_space<vmem>>
      %dma_wait3A_315 = tpu.memref_squeeze %dma_wait3A_314 : memref<1x128x16xf32, #tpu.memory_space<vmem>> -> memref<128x16xf32, #tpu.memory_space<vmem>>
      %dma_wait3A_316 = arith.constant 0 : i32
      %dma_wait3A_317 = tpu.memref_slice %arg5[%dma_wait3A_310, %dma_wait3A_316] : memref<14x128xi32, #tpu.memory_space<vmem>> -> memref<1x128xi32, #tpu.memory_space<vmem>>
      %dma_wait3A_318 = tpu.memref_squeeze %dma_wait3A_317 : memref<1x128xi32, #tpu.memory_space<vmem>> -> memref<128xi32, #tpu.memory_space<vmem>>
      %dma_wait3A_319 = arith.constant 0 : i32
      %dma_wait3A_320 = arith.constant 0 : i32
      %dma_wait3A_321 = tpu.memref_slice %arg2[%dma_wait3A_319, %dma_wait3A_320] : memref<50000x16xf32, #tpu.memory_space<hbm>> -> memref<50000x16xf32, #tpu.memory_space<hbm>>
      tpu.wait_indirect_dma semaphore(%arg7 : memref<!tpu.dma_semaphore, #tpu.memory_space<semaphore_mem>>) src(%dma_wait3A_321 : memref<50000x16xf32, #tpu.memory_space<hbm>>) dst(%dma_wait3A_315 : memref<128x16xf32, #tpu.memory_space<vmem>>)
      %dma_wait3A_322 = arith.constant 12 : i32
      %dma_wait3A_323 = arith.constant 12 : i32
      %dma_wait3A_324 = arith.constant 0 : i32
      %dma_wait3A_325 = arith.constant 0 : i32
      %dma_wait3A_326 = tpu.memref_slice %arg6[%dma_wait3A_323, %dma_wait3A_324, %dma_wait3A_325] : memref<14x128x16xf32, #tpu.memory_space<vmem>> -> memref<1x128x16xf32, #tpu.memory_space<vmem>>
      %dma_wait3A_327 = tpu.memref_squeeze %dma_wait3A_326 : memref<1x128x16xf32, #tpu.memory_space<vmem>> -> memref<128x16xf32, #tpu.memory_space<vmem>>
      %dma_wait3A_328 = arith.constant 0 : i32
      %dma_wait3A_329 = tpu.memref_slice %arg5[%dma_wait3A_322, %dma_wait3A_328] : memref<14x128xi32, #tpu.memory_space<vmem>> -> memref<1x128xi32, #tpu.memory_space<vmem>>
      %dma_wait3A_330 = tpu.memref_squeeze %dma_wait3A_329 : memref<1x128xi32, #tpu.memory_space<vmem>> -> memref<128xi32, #tpu.memory_space<vmem>>
      %dma_wait3A_331 = arith.constant 0 : i32
      %dma_wait3A_332 = arith.constant 0 : i32
      %dma_wait3A_333 = tpu.memref_slice %arg2[%dma_wait3A_331, %dma_wait3A_332] : memref<50000x16xf32, #tpu.memory_space<hbm>> -> memref<50000x16xf32, #tpu.memory_space<hbm>>
      tpu.wait_indirect_dma semaphore(%arg7 : memref<!tpu.dma_semaphore, #tpu.memory_space<semaphore_mem>>) src(%dma_wait3A_333 : memref<50000x16xf32, #tpu.memory_space<hbm>>) dst(%dma_wait3A_327 : memref<128x16xf32, #tpu.memory_space<vmem>>)
      %dma_wait3A_334 = arith.constant 13 : i32
      %dma_wait3A_335 = arith.constant 13 : i32
      %dma_wait3A_336 = arith.constant 0 : i32
      %dma_wait3A_337 = arith.constant 0 : i32
      %dma_wait3A_338 = tpu.memref_slice %arg6[%dma_wait3A_335, %dma_wait3A_336, %dma_wait3A_337] : memref<14x128x16xf32, #tpu.memory_space<vmem>> -> memref<1x128x16xf32, #tpu.memory_space<vmem>>
      %dma_wait3A_339 = tpu.memref_squeeze %dma_wait3A_338 : memref<1x128x16xf32, #tpu.memory_space<vmem>> -> memref<128x16xf32, #tpu.memory_space<vmem>>
      %dma_wait3A_340 = arith.constant 0 : i32
      %dma_wait3A_341 = tpu.memref_slice %arg5[%dma_wait3A_334, %dma_wait3A_340] : memref<14x128xi32, #tpu.memory_space<vmem>> -> memref<1x128xi32, #tpu.memory_space<vmem>>
      %dma_wait3A_342 = tpu.memref_squeeze %dma_wait3A_341 : memref<1x128xi32, #tpu.memory_space<vmem>> -> memref<128xi32, #tpu.memory_space<vmem>>
      %dma_wait3A_343 = arith.constant 0 : i32
      %dma_wait3A_344 = arith.constant 0 : i32
      %dma_wait3A_345 = tpu.memref_slice %arg2[%dma_wait3A_343, %dma_wait3A_344] : memref<50000x16xf32, #tpu.memory_space<hbm>> -> memref<50000x16xf32, #tpu.memory_space<hbm>>
      tpu.wait_indirect_dma semaphore(%arg7 : memref<!tpu.dma_semaphore, #tpu.memory_space<semaphore_mem>>) src(%dma_wait3A_345 : memref<50000x16xf32, #tpu.memory_space<hbm>>) dst(%dma_wait3A_339 : memref<128x16xf32, #tpu.memory_space<vmem>>)
      "tpu.region"() ({
        %run_scoped3A = tpu.sem_alloc : memref<!tpu.dma_semaphore, #tpu.memory_space<semaphore_mem>>
        %dma_start3A_346 = arith.constant 0 : i32
        %dma_start3A_347 = arith.constant 0 : i32
        %dma_start3A_348 = tpu.memref_slice %arg4[%add3A_11, %dma_start3A_346, %dma_start3A_347] : memref<3136x128x16xf32, #tpu.memory_space<hbm>> -> memref<14x128x16xf32, #tpu.memory_space<hbm>>
        %dma_start3A_349 = arith.constant 0 : i32
        %dma_start3A_350 = arith.constant 0 : i32
        %dma_start3A_351 = tpu.memref_slice %arg4[%add3A_11, %dma_start3A_349, %dma_start3A_350] : memref<3136x128x16xf32, #tpu.memory_space<hbm>> -> memref<14x128x16xf32, #tpu.memory_space<hbm>>
        tpu.enqueue_dma source(%arg6 : memref<14x128x16xf32, #tpu.memory_space<vmem>>) target(%dma_start3A_351 : memref<14x128x16xf32, #tpu.memory_space<hbm>>) target_semaphore(%run_scoped3A : memref<!tpu.dma_semaphore, #tpu.memory_space<semaphore_mem>>)
        %dma_wait3A_352 = arith.constant 0 : i32
        %dma_wait3A_353 = arith.constant 0 : i32
        %dma_wait3A_354 = tpu.memref_slice %arg4[%add3A_11, %dma_wait3A_352, %dma_wait3A_353] : memref<3136x128x16xf32, #tpu.memory_space<hbm>> -> memref<14x128x16xf32, #tpu.memory_space<hbm>>
        %dma_wait3A_355 = arith.constant 0 : i32
        %dma_wait3A_356 = arith.constant 0 : i32
        %dma_wait3A_357 = tpu.memref_slice %arg4[%add3A_11, %dma_wait3A_355, %dma_wait3A_356] : memref<3136x128x16xf32, #tpu.memory_space<hbm>> -> memref<14x128x16xf32, #tpu.memory_space<hbm>>
        tpu.wait_dma2 semaphore(%run_scoped3A : memref<!tpu.dma_semaphore, #tpu.memory_space<semaphore_mem>>) src(%arg6 : memref<14x128x16xf32, #tpu.memory_space<vmem>>) dst(%dma_wait3A_357 : memref<14x128x16xf32, #tpu.memory_space<hbm>>)
        tpu.yield
      }) : () -> ()
    }
    %scan3A_7 = arith.constant 7 : i32
    return
  }
}

#map = affine_map<(d0, d1) -> (0, 0)>
module attributes {stable_mosaic.version = 14 : i64} {
  func.func @k(%arg0: i32, %arg1: i32, %arg2: memref<401408x32xf32, #tpu.memory_space<hbm>>, %arg3: memref<3136x128xi32, #tpu.memory_space<hbm>>, %arg4: memref<50008x32xf32, #tpu.memory_space<hbm>>, %arg5: memref<100000x32xf32, #tpu.memory_space<hbm>>, %arg6: memref<50008x32xf32, #tpu.memory_space<vmem_shared>>, %arg7: memref<7x128xi32, #tpu.memory_space<vmem>>, %arg8: memref<896x32xf32, #tpu.memory_space<vmem>>, %arg9: memref<!tpu.dma_semaphore, #tpu.memory_space<semaphore_mem>>) attributes {dimension_semantics = [#tpu.dimension_semantics<core_parallel>, #tpu.dimension_semantics<subcore_parallel>], iteration_bounds = array<i64: 2, 16>, scalar_prefetch = 0 : i64, scratch_operands = 4 : i64, tpu.core_type = #tpu.core_type<sc_vector_subcore>, window_params = [{transform_indices = #map}, {transform_indices = #map}, {transform_indices = #map}, {transform_indices = #map}]} {
    %mul3A = arith.constant 2 : i32
    %mul3A_0 = arith.muli %arg1, %mul3A : i32
    %add3A = arith.addi %mul3A_0, %arg0 : i32
    %mul3A_1 = arith.constant 98 : i32
    %mul3A_2 = arith.muli %add3A, %mul3A_1 : i32
    %mul3A_3 = arith.constant 3125 : i32
    %mul3A_4 = arith.muli %arg1, %mul3A_3 : i32
    %mul3A_5 = arith.constant 3125 : i32
    %mul3A_6 = arith.muli %arg1, %mul3A_5 : i32
    "tpu.region"() ({
      %run_scoped3A = tpu.sem_alloc : memref<!tpu.dma_semaphore, #tpu.memory_space<semaphore_mem>>
      %dma_start3A = arith.constant 0 : i32
      %dma_start3A_20 = tpu.memref_slice %arg6[%mul3A_6, %dma_start3A] : memref<50008x32xf32, #tpu.memory_space<vmem_shared>> -> memref<3125x32xf32, #tpu.memory_space<vmem_shared>>
      %dma_start3A_21 = arith.constant 0 : i32
      %dma_start3A_22 = tpu.memref_slice %arg4[%mul3A_4, %dma_start3A_21] : memref<50008x32xf32, #tpu.memory_space<hbm>> -> memref<3125x32xf32, #tpu.memory_space<hbm>>
      tpu.enqueue_dma source(%dma_start3A_22 : memref<3125x32xf32, #tpu.memory_space<hbm>>) target(%dma_start3A_20 : memref<3125x32xf32, #tpu.memory_space<vmem_shared>>) target_semaphore(%run_scoped3A : memref<!tpu.dma_semaphore, #tpu.memory_space<semaphore_mem>>)
      %dma_wait3A = arith.constant 0 : i32
      %dma_wait3A_23 = tpu.memref_slice %arg6[%mul3A_6, %dma_wait3A] : memref<50008x32xf32, #tpu.memory_space<vmem_shared>> -> memref<3125x32xf32, #tpu.memory_space<vmem_shared>>
      %dma_wait3A_24 = arith.constant 0 : i32
      %dma_wait3A_25 = tpu.memref_slice %arg4[%mul3A_4, %dma_wait3A_24] : memref<50008x32xf32, #tpu.memory_space<hbm>> -> memref<3125x32xf32, #tpu.memory_space<hbm>>
      tpu.wait_dma2 semaphore(%run_scoped3A : memref<!tpu.dma_semaphore, #tpu.memory_space<semaphore_mem>>) src(%dma_wait3A_25 : memref<3125x32xf32, #tpu.memory_space<hbm>>) dst(%dma_wait3A_23 : memref<3125x32xf32, #tpu.memory_space<vmem_shared>>)
      tpu.yield
    }) : () -> ()
    %barrier3A = arith.constant 0 : index
    tpu.barrier barrier_id(%barrier3A)
    %scan3A = arith.constant 0 : i32
    %scan3A_7 = arith.constant 0 : i32
    %scan3A_8 = arith.constant 14 : i32
    %scan3A_9 = arith.addi %scan3A_7, %scan3A_8 : i32
    %scan3A_10 = arith.constant 1 : i32
    scf.for %scan3A_20 = %scan3A_7 to %scan3A_9 step %scan3A_10  : i32 {
      %mul3A_21 = arith.constant 7 : i32
      %mul3A_22 = arith.muli %scan3A_20, %mul3A_21 : i32
      %add3A_23 = arith.addi %mul3A_2, %mul3A_22 : i32
      "tpu.region"() ({
        %run_scoped3A = tpu.sem_alloc : memref<!tpu.dma_semaphore, #tpu.memory_space<semaphore_mem>>
        %dma_start3A_164 = arith.constant 0 : i32
        %dma_start3A_165 = tpu.memref_slice %arg3[%add3A_23, %dma_start3A_164] : memref<3136x128xi32, #tpu.memory_space<hbm>> -> memref<7x128xi32, #tpu.memory_space<hbm>>
        %dma_start3A_166 = arith.constant 0 : i32
        %dma_start3A_167 = tpu.memref_slice %arg3[%add3A_23, %dma_start3A_166] : memref<3136x128xi32, #tpu.memory_space<hbm>> -> memref<7x128xi32, #tpu.memory_space<hbm>>
        tpu.enqueue_dma source(%dma_start3A_167 : memref<7x128xi32, #tpu.memory_space<hbm>>) target(%arg7 : memref<7x128xi32, #tpu.memory_space<vmem>>) target_semaphore(%run_scoped3A : memref<!tpu.dma_semaphore, #tpu.memory_space<semaphore_mem>>)
        %dma_wait3A_168 = arith.constant 0 : i32
        %dma_wait3A_169 = tpu.memref_slice %arg3[%add3A_23, %dma_wait3A_168] : memref<3136x128xi32, #tpu.memory_space<hbm>> -> memref<7x128xi32, #tpu.memory_space<hbm>>
        %dma_wait3A_170 = arith.constant 0 : i32
        %dma_wait3A_171 = tpu.memref_slice %arg3[%add3A_23, %dma_wait3A_170] : memref<3136x128xi32, #tpu.memory_space<hbm>> -> memref<7x128xi32, #tpu.memory_space<hbm>>
        tpu.wait_dma2 semaphore(%run_scoped3A : memref<!tpu.dma_semaphore, #tpu.memory_space<semaphore_mem>>) src(%dma_wait3A_171 : memref<7x128xi32, #tpu.memory_space<hbm>>) dst(%arg7 : memref<7x128xi32, #tpu.memory_space<vmem>>)
        tpu.yield
      }) : () -> ()
      %mul3A_24 = arith.constant 128 : i32
      %mul3A_25 = arith.muli %add3A_23, %mul3A_24 : i32
      "tpu.region"() ({
        %run_scoped3A = tpu.sem_alloc : memref<!tpu.dma_semaphore, #tpu.memory_space<semaphore_mem>>
        %dma_start3A_164 = arith.constant 0 : i32
        %dma_start3A_165 = tpu.memref_slice %arg2[%mul3A_25, %dma_start3A_164] : memref<401408x32xf32, #tpu.memory_space<hbm>> -> memref<896x32xf32, #tpu.memory_space<hbm>>
        %dma_start3A_166 = arith.constant 0 : i32
        %dma_start3A_167 = tpu.memref_slice %arg2[%mul3A_25, %dma_start3A_166] : memref<401408x32xf32, #tpu.memory_space<hbm>> -> memref<896x32xf32, #tpu.memory_space<hbm>>
        tpu.enqueue_dma source(%dma_start3A_167 : memref<896x32xf32, #tpu.memory_space<hbm>>) target(%arg8 : memref<896x32xf32, #tpu.memory_space<vmem>>) target_semaphore(%run_scoped3A : memref<!tpu.dma_semaphore, #tpu.memory_space<semaphore_mem>>)
        %dma_wait3A_168 = arith.constant 0 : i32
        %dma_wait3A_169 = tpu.memref_slice %arg2[%mul3A_25, %dma_wait3A_168] : memref<401408x32xf32, #tpu.memory_space<hbm>> -> memref<896x32xf32, #tpu.memory_space<hbm>>
        %dma_wait3A_170 = arith.constant 0 : i32
        %dma_wait3A_171 = tpu.memref_slice %arg2[%mul3A_25, %dma_wait3A_170] : memref<401408x32xf32, #tpu.memory_space<hbm>> -> memref<896x32xf32, #tpu.memory_space<hbm>>
        tpu.wait_dma2 semaphore(%run_scoped3A : memref<!tpu.dma_semaphore, #tpu.memory_space<semaphore_mem>>) src(%dma_wait3A_171 : memref<896x32xf32, #tpu.memory_space<hbm>>) dst(%arg8 : memref<896x32xf32, #tpu.memory_space<vmem>>)
        tpu.yield
      }) : () -> ()
      %dma_start3A = arith.constant 0 : i32
      %dma_start3A_26 = arith.constant 0 : i32
      %dma_start3A_27 = arith.constant 0 : i32
      %dma_start3A_28 = tpu.memref_slice %arg8[%dma_start3A_26, %dma_start3A_27] : memref<896x32xf32, #tpu.memory_space<vmem>> -> memref<128x32xf32, #tpu.memory_space<vmem>>
      %dma_start3A_29 = arith.constant 0 : i32
      %dma_start3A_30 = tpu.memref_slice %arg7[%dma_start3A, %dma_start3A_29] : memref<7x128xi32, #tpu.memory_space<vmem>> -> memref<1x128xi32, #tpu.memory_space<vmem>>
      %dma_start3A_31 = tpu.memref_squeeze %dma_start3A_30 : memref<1x128xi32, #tpu.memory_space<vmem>> -> memref<128xi32, #tpu.memory_space<vmem>>
      %dma_start3A_32 = arith.constant 0 : i32
      %dma_start3A_33 = arith.constant 0 : i32
      %dma_start3A_34 = tpu.memref_slice %arg6[%dma_start3A_32, %dma_start3A_33] : memref<50008x32xf32, #tpu.memory_space<vmem_shared>> -> memref<50008x32xf32, #tpu.memory_space<vmem_shared>>
      tpu.enqueue_indirect_dma source(%dma_start3A_28 : memref<128x32xf32, #tpu.memory_space<vmem>>) target(%dma_start3A_34 : memref<50008x32xf32, #tpu.memory_space<vmem_shared>>) offsets(%dma_start3A_31 : memref<128xi32, #tpu.memory_space<vmem>>) semaphore(%arg9 : memref<!tpu.dma_semaphore, #tpu.memory_space<semaphore_mem>>) {add = true}
      %dma_start3A_35 = arith.constant 1 : i32
      %dma_start3A_36 = arith.constant 128 : i32
      %dma_start3A_37 = arith.constant 0 : i32
      %dma_start3A_38 = tpu.memref_slice %arg8[%dma_start3A_36, %dma_start3A_37] : memref<896x32xf32, #tpu.memory_space<vmem>> -> memref<128x32xf32, #tpu.memory_space<vmem>>
      %dma_start3A_39 = arith.constant 0 : i32
      %dma_start3A_40 = tpu.memref_slice %arg7[%dma_start3A_35, %dma_start3A_39] : memref<7x128xi32, #tpu.memory_space<vmem>> -> memref<1x128xi32, #tpu.memory_space<vmem>>
      %dma_start3A_41 = tpu.memref_squeeze %dma_start3A_40 : memref<1x128xi32, #tpu.memory_space<vmem>> -> memref<128xi32, #tpu.memory_space<vmem>>
      %dma_start3A_42 = arith.constant 0 : i32
      %dma_start3A_43 = arith.constant 0 : i32
      %dma_start3A_44 = tpu.memref_slice %arg6[%dma_start3A_42, %dma_start3A_43] : memref<50008x32xf32, #tpu.memory_space<vmem_shared>> -> memref<50008x32xf32, #tpu.memory_space<vmem_shared>>
      tpu.enqueue_indirect_dma source(%dma_start3A_38 : memref<128x32xf32, #tpu.memory_space<vmem>>) target(%dma_start3A_44 : memref<50008x32xf32, #tpu.memory_space<vmem_shared>>) offsets(%dma_start3A_41 : memref<128xi32, #tpu.memory_space<vmem>>) semaphore(%arg9 : memref<!tpu.dma_semaphore, #tpu.memory_space<semaphore_mem>>) {add = true}
      %dma_start3A_45 = arith.constant 2 : i32
      %dma_start3A_46 = arith.constant 256 : i32
      %dma_start3A_47 = arith.constant 0 : i32
      %dma_start3A_48 = tpu.memref_slice %arg8[%dma_start3A_46, %dma_start3A_47] : memref<896x32xf32, #tpu.memory_space<vmem>> -> memref<128x32xf32, #tpu.memory_space<vmem>>
      %dma_start3A_49 = arith.constant 0 : i32
      %dma_start3A_50 = tpu.memref_slice %arg7[%dma_start3A_45, %dma_start3A_49] : memref<7x128xi32, #tpu.memory_space<vmem>> -> memref<1x128xi32, #tpu.memory_space<vmem>>
      %dma_start3A_51 = tpu.memref_squeeze %dma_start3A_50 : memref<1x128xi32, #tpu.memory_space<vmem>> -> memref<128xi32, #tpu.memory_space<vmem>>
      %dma_start3A_52 = arith.constant 0 : i32
      %dma_start3A_53 = arith.constant 0 : i32
      %dma_start3A_54 = tpu.memref_slice %arg6[%dma_start3A_52, %dma_start3A_53] : memref<50008x32xf32, #tpu.memory_space<vmem_shared>> -> memref<50008x32xf32, #tpu.memory_space<vmem_shared>>
      tpu.enqueue_indirect_dma source(%dma_start3A_48 : memref<128x32xf32, #tpu.memory_space<vmem>>) target(%dma_start3A_54 : memref<50008x32xf32, #tpu.memory_space<vmem_shared>>) offsets(%dma_start3A_51 : memref<128xi32, #tpu.memory_space<vmem>>) semaphore(%arg9 : memref<!tpu.dma_semaphore, #tpu.memory_space<semaphore_mem>>) {add = true}
      %dma_start3A_55 = arith.constant 3 : i32
      %dma_start3A_56 = arith.constant 384 : i32
      %dma_start3A_57 = arith.constant 0 : i32
      %dma_start3A_58 = tpu.memref_slice %arg8[%dma_start3A_56, %dma_start3A_57] : memref<896x32xf32, #tpu.memory_space<vmem>> -> memref<128x32xf32, #tpu.memory_space<vmem>>
      %dma_start3A_59 = arith.constant 0 : i32
      %dma_start3A_60 = tpu.memref_slice %arg7[%dma_start3A_55, %dma_start3A_59] : memref<7x128xi32, #tpu.memory_space<vmem>> -> memref<1x128xi32, #tpu.memory_space<vmem>>
      %dma_start3A_61 = tpu.memref_squeeze %dma_start3A_60 : memref<1x128xi32, #tpu.memory_space<vmem>> -> memref<128xi32, #tpu.memory_space<vmem>>
      %dma_start3A_62 = arith.constant 0 : i32
      %dma_start3A_63 = arith.constant 0 : i32
      %dma_start3A_64 = tpu.memref_slice %arg6[%dma_start3A_62, %dma_start3A_63] : memref<50008x32xf32, #tpu.memory_space<vmem_shared>> -> memref<50008x32xf32, #tpu.memory_space<vmem_shared>>
      tpu.enqueue_indirect_dma source(%dma_start3A_58 : memref<128x32xf32, #tpu.memory_space<vmem>>) target(%dma_start3A_64 : memref<50008x32xf32, #tpu.memory_space<vmem_shared>>) offsets(%dma_start3A_61 : memref<128xi32, #tpu.memory_space<vmem>>) semaphore(%arg9 : memref<!tpu.dma_semaphore, #tpu.memory_space<semaphore_mem>>) {add = true}
      %dma_start3A_65 = arith.constant 4 : i32
      %dma_start3A_66 = arith.constant 512 : i32
      %dma_start3A_67 = arith.constant 0 : i32
      %dma_start3A_68 = tpu.memref_slice %arg8[%dma_start3A_66, %dma_start3A_67] : memref<896x32xf32, #tpu.memory_space<vmem>> -> memref<128x32xf32, #tpu.memory_space<vmem>>
      %dma_start3A_69 = arith.constant 0 : i32
      %dma_start3A_70 = tpu.memref_slice %arg7[%dma_start3A_65, %dma_start3A_69] : memref<7x128xi32, #tpu.memory_space<vmem>> -> memref<1x128xi32, #tpu.memory_space<vmem>>
      %dma_start3A_71 = tpu.memref_squeeze %dma_start3A_70 : memref<1x128xi32, #tpu.memory_space<vmem>> -> memref<128xi32, #tpu.memory_space<vmem>>
      %dma_start3A_72 = arith.constant 0 : i32
      %dma_start3A_73 = arith.constant 0 : i32
      %dma_start3A_74 = tpu.memref_slice %arg6[%dma_start3A_72, %dma_start3A_73] : memref<50008x32xf32, #tpu.memory_space<vmem_shared>> -> memref<50008x32xf32, #tpu.memory_space<vmem_shared>>
      tpu.enqueue_indirect_dma source(%dma_start3A_68 : memref<128x32xf32, #tpu.memory_space<vmem>>) target(%dma_start3A_74 : memref<50008x32xf32, #tpu.memory_space<vmem_shared>>) offsets(%dma_start3A_71 : memref<128xi32, #tpu.memory_space<vmem>>) semaphore(%arg9 : memref<!tpu.dma_semaphore, #tpu.memory_space<semaphore_mem>>) {add = true}
      %dma_start3A_75 = arith.constant 5 : i32
      %dma_start3A_76 = arith.constant 640 : i32
      %dma_start3A_77 = arith.constant 0 : i32
      %dma_start3A_78 = tpu.memref_slice %arg8[%dma_start3A_76, %dma_start3A_77] : memref<896x32xf32, #tpu.memory_space<vmem>> -> memref<128x32xf32, #tpu.memory_space<vmem>>
      %dma_start3A_79 = arith.constant 0 : i32
      %dma_start3A_80 = tpu.memref_slice %arg7[%dma_start3A_75, %dma_start3A_79] : memref<7x128xi32, #tpu.memory_space<vmem>> -> memref<1x128xi32, #tpu.memory_space<vmem>>
      %dma_start3A_81 = tpu.memref_squeeze %dma_start3A_80 : memref<1x128xi32, #tpu.memory_space<vmem>> -> memref<128xi32, #tpu.memory_space<vmem>>
      %dma_start3A_82 = arith.constant 0 : i32
      %dma_start3A_83 = arith.constant 0 : i32
      %dma_start3A_84 = tpu.memref_slice %arg6[%dma_start3A_82, %dma_start3A_83] : memref<50008x32xf32, #tpu.memory_space<vmem_shared>> -> memref<50008x32xf32, #tpu.memory_space<vmem_shared>>
      tpu.enqueue_indirect_dma source(%dma_start3A_78 : memref<128x32xf32, #tpu.memory_space<vmem>>) target(%dma_start3A_84 : memref<50008x32xf32, #tpu.memory_space<vmem_shared>>) offsets(%dma_start3A_81 : memref<128xi32, #tpu.memory_space<vmem>>) semaphore(%arg9 : memref<!tpu.dma_semaphore, #tpu.memory_space<semaphore_mem>>) {add = true}
      %dma_start3A_85 = arith.constant 6 : i32
      %dma_start3A_86 = arith.constant 768 : i32
      %dma_start3A_87 = arith.constant 0 : i32
      %dma_start3A_88 = tpu.memref_slice %arg8[%dma_start3A_86, %dma_start3A_87] : memref<896x32xf32, #tpu.memory_space<vmem>> -> memref<128x32xf32, #tpu.memory_space<vmem>>
      %dma_start3A_89 = arith.constant 0 : i32
      %dma_start3A_90 = tpu.memref_slice %arg7[%dma_start3A_85, %dma_start3A_89] : memref<7x128xi32, #tpu.memory_space<vmem>> -> memref<1x128xi32, #tpu.memory_space<vmem>>
      %dma_start3A_91 = tpu.memref_squeeze %dma_start3A_90 : memref<1x128xi32, #tpu.memory_space<vmem>> -> memref<128xi32, #tpu.memory_space<vmem>>
      %dma_start3A_92 = arith.constant 0 : i32
      %dma_start3A_93 = arith.constant 0 : i32
      %dma_start3A_94 = tpu.memref_slice %arg6[%dma_start3A_92, %dma_start3A_93] : memref<50008x32xf32, #tpu.memory_space<vmem_shared>> -> memref<50008x32xf32, #tpu.memory_space<vmem_shared>>
      tpu.enqueue_indirect_dma source(%dma_start3A_88 : memref<128x32xf32, #tpu.memory_space<vmem>>) target(%dma_start3A_94 : memref<50008x32xf32, #tpu.memory_space<vmem_shared>>) offsets(%dma_start3A_91 : memref<128xi32, #tpu.memory_space<vmem>>) semaphore(%arg9 : memref<!tpu.dma_semaphore, #tpu.memory_space<semaphore_mem>>) {add = true}
      %dma_wait3A = arith.constant 0 : i32
      %dma_wait3A_95 = arith.constant 0 : i32
      %dma_wait3A_96 = arith.constant 0 : i32
      %dma_wait3A_97 = tpu.memref_slice %arg8[%dma_wait3A_95, %dma_wait3A_96] : memref<896x32xf32, #tpu.memory_space<vmem>> -> memref<128x32xf32, #tpu.memory_space<vmem>>
      %dma_wait3A_98 = arith.constant 0 : i32
      %dma_wait3A_99 = tpu.memref_slice %arg7[%dma_wait3A, %dma_wait3A_98] : memref<7x128xi32, #tpu.memory_space<vmem>> -> memref<1x128xi32, #tpu.memory_space<vmem>>
      %dma_wait3A_100 = tpu.memref_squeeze %dma_wait3A_99 : memref<1x128xi32, #tpu.memory_space<vmem>> -> memref<128xi32, #tpu.memory_space<vmem>>
      %dma_wait3A_101 = arith.constant 0 : i32
      %dma_wait3A_102 = arith.constant 0 : i32
      %dma_wait3A_103 = tpu.memref_slice %arg6[%dma_wait3A_101, %dma_wait3A_102] : memref<50008x32xf32, #tpu.memory_space<vmem_shared>> -> memref<50008x32xf32, #tpu.memory_space<vmem_shared>>
      tpu.wait_indirect_dma semaphore(%arg9 : memref<!tpu.dma_semaphore, #tpu.memory_space<semaphore_mem>>) src(%dma_wait3A_97 : memref<128x32xf32, #tpu.memory_space<vmem>>) dst(%dma_wait3A_103 : memref<50008x32xf32, #tpu.memory_space<vmem_shared>>)
      %dma_wait3A_104 = arith.constant 1 : i32
      %dma_wait3A_105 = arith.constant 128 : i32
      %dma_wait3A_106 = arith.constant 0 : i32
      %dma_wait3A_107 = tpu.memref_slice %arg8[%dma_wait3A_105, %dma_wait3A_106] : memref<896x32xf32, #tpu.memory_space<vmem>> -> memref<128x32xf32, #tpu.memory_space<vmem>>
      %dma_wait3A_108 = arith.constant 0 : i32
      %dma_wait3A_109 = tpu.memref_slice %arg7[%dma_wait3A_104, %dma_wait3A_108] : memref<7x128xi32, #tpu.memory_space<vmem>> -> memref<1x128xi32, #tpu.memory_space<vmem>>
      %dma_wait3A_110 = tpu.memref_squeeze %dma_wait3A_109 : memref<1x128xi32, #tpu.memory_space<vmem>> -> memref<128xi32, #tpu.memory_space<vmem>>
      %dma_wait3A_111 = arith.constant 0 : i32
      %dma_wait3A_112 = arith.constant 0 : i32
      %dma_wait3A_113 = tpu.memref_slice %arg6[%dma_wait3A_111, %dma_wait3A_112] : memref<50008x32xf32, #tpu.memory_space<vmem_shared>> -> memref<50008x32xf32, #tpu.memory_space<vmem_shared>>
      tpu.wait_indirect_dma semaphore(%arg9 : memref<!tpu.dma_semaphore, #tpu.memory_space<semaphore_mem>>) src(%dma_wait3A_107 : memref<128x32xf32, #tpu.memory_space<vmem>>) dst(%dma_wait3A_113 : memref<50008x32xf32, #tpu.memory_space<vmem_shared>>)
      %dma_wait3A_114 = arith.constant 2 : i32
      %dma_wait3A_115 = arith.constant 256 : i32
      %dma_wait3A_116 = arith.constant 0 : i32
      %dma_wait3A_117 = tpu.memref_slice %arg8[%dma_wait3A_115, %dma_wait3A_116] : memref<896x32xf32, #tpu.memory_space<vmem>> -> memref<128x32xf32, #tpu.memory_space<vmem>>
      %dma_wait3A_118 = arith.constant 0 : i32
      %dma_wait3A_119 = tpu.memref_slice %arg7[%dma_wait3A_114, %dma_wait3A_118] : memref<7x128xi32, #tpu.memory_space<vmem>> -> memref<1x128xi32, #tpu.memory_space<vmem>>
      %dma_wait3A_120 = tpu.memref_squeeze %dma_wait3A_119 : memref<1x128xi32, #tpu.memory_space<vmem>> -> memref<128xi32, #tpu.memory_space<vmem>>
      %dma_wait3A_121 = arith.constant 0 : i32
      %dma_wait3A_122 = arith.constant 0 : i32
      %dma_wait3A_123 = tpu.memref_slice %arg6[%dma_wait3A_121, %dma_wait3A_122] : memref<50008x32xf32, #tpu.memory_space<vmem_shared>> -> memref<50008x32xf32, #tpu.memory_space<vmem_shared>>
      tpu.wait_indirect_dma semaphore(%arg9 : memref<!tpu.dma_semaphore, #tpu.memory_space<semaphore_mem>>) src(%dma_wait3A_117 : memref<128x32xf32, #tpu.memory_space<vmem>>) dst(%dma_wait3A_123 : memref<50008x32xf32, #tpu.memory_space<vmem_shared>>)
      %dma_wait3A_124 = arith.constant 3 : i32
      %dma_wait3A_125 = arith.constant 384 : i32
      %dma_wait3A_126 = arith.constant 0 : i32
      %dma_wait3A_127 = tpu.memref_slice %arg8[%dma_wait3A_125, %dma_wait3A_126] : memref<896x32xf32, #tpu.memory_space<vmem>> -> memref<128x32xf32, #tpu.memory_space<vmem>>
      %dma_wait3A_128 = arith.constant 0 : i32
      %dma_wait3A_129 = tpu.memref_slice %arg7[%dma_wait3A_124, %dma_wait3A_128] : memref<7x128xi32, #tpu.memory_space<vmem>> -> memref<1x128xi32, #tpu.memory_space<vmem>>
      %dma_wait3A_130 = tpu.memref_squeeze %dma_wait3A_129 : memref<1x128xi32, #tpu.memory_space<vmem>> -> memref<128xi32, #tpu.memory_space<vmem>>
      %dma_wait3A_131 = arith.constant 0 : i32
      %dma_wait3A_132 = arith.constant 0 : i32
      %dma_wait3A_133 = tpu.memref_slice %arg6[%dma_wait3A_131, %dma_wait3A_132] : memref<50008x32xf32, #tpu.memory_space<vmem_shared>> -> memref<50008x32xf32, #tpu.memory_space<vmem_shared>>
      tpu.wait_indirect_dma semaphore(%arg9 : memref<!tpu.dma_semaphore, #tpu.memory_space<semaphore_mem>>) src(%dma_wait3A_127 : memref<128x32xf32, #tpu.memory_space<vmem>>) dst(%dma_wait3A_133 : memref<50008x32xf32, #tpu.memory_space<vmem_shared>>)
      %dma_wait3A_134 = arith.constant 4 : i32
      %dma_wait3A_135 = arith.constant 512 : i32
      %dma_wait3A_136 = arith.constant 0 : i32
      %dma_wait3A_137 = tpu.memref_slice %arg8[%dma_wait3A_135, %dma_wait3A_136] : memref<896x32xf32, #tpu.memory_space<vmem>> -> memref<128x32xf32, #tpu.memory_space<vmem>>
      %dma_wait3A_138 = arith.constant 0 : i32
      %dma_wait3A_139 = tpu.memref_slice %arg7[%dma_wait3A_134, %dma_wait3A_138] : memref<7x128xi32, #tpu.memory_space<vmem>> -> memref<1x128xi32, #tpu.memory_space<vmem>>
      %dma_wait3A_140 = tpu.memref_squeeze %dma_wait3A_139 : memref<1x128xi32, #tpu.memory_space<vmem>> -> memref<128xi32, #tpu.memory_space<vmem>>
      %dma_wait3A_141 = arith.constant 0 : i32
      %dma_wait3A_142 = arith.constant 0 : i32
      %dma_wait3A_143 = tpu.memref_slice %arg6[%dma_wait3A_141, %dma_wait3A_142] : memref<50008x32xf32, #tpu.memory_space<vmem_shared>> -> memref<50008x32xf32, #tpu.memory_space<vmem_shared>>
      tpu.wait_indirect_dma semaphore(%arg9 : memref<!tpu.dma_semaphore, #tpu.memory_space<semaphore_mem>>) src(%dma_wait3A_137 : memref<128x32xf32, #tpu.memory_space<vmem>>) dst(%dma_wait3A_143 : memref<50008x32xf32, #tpu.memory_space<vmem_shared>>)
      %dma_wait3A_144 = arith.constant 5 : i32
      %dma_wait3A_145 = arith.constant 640 : i32
      %dma_wait3A_146 = arith.constant 0 : i32
      %dma_wait3A_147 = tpu.memref_slice %arg8[%dma_wait3A_145, %dma_wait3A_146] : memref<896x32xf32, #tpu.memory_space<vmem>> -> memref<128x32xf32, #tpu.memory_space<vmem>>
      %dma_wait3A_148 = arith.constant 0 : i32
      %dma_wait3A_149 = tpu.memref_slice %arg7[%dma_wait3A_144, %dma_wait3A_148] : memref<7x128xi32, #tpu.memory_space<vmem>> -> memref<1x128xi32, #tpu.memory_space<vmem>>
      %dma_wait3A_150 = tpu.memref_squeeze %dma_wait3A_149 : memref<1x128xi32, #tpu.memory_space<vmem>> -> memref<128xi32, #tpu.memory_space<vmem>>
      %dma_wait3A_151 = arith.constant 0 : i32
      %dma_wait3A_152 = arith.constant 0 : i32
      %dma_wait3A_153 = tpu.memref_slice %arg6[%dma_wait3A_151, %dma_wait3A_152] : memref<50008x32xf32, #tpu.memory_space<vmem_shared>> -> memref<50008x32xf32, #tpu.memory_space<vmem_shared>>
      tpu.wait_indirect_dma semaphore(%arg9 : memref<!tpu.dma_semaphore, #tpu.memory_space<semaphore_mem>>) src(%dma_wait3A_147 : memref<128x32xf32, #tpu.memory_space<vmem>>) dst(%dma_wait3A_153 : memref<50008x32xf32, #tpu.memory_space<vmem_shared>>)
      %dma_wait3A_154 = arith.constant 6 : i32
      %dma_wait3A_155 = arith.constant 768 : i32
      %dma_wait3A_156 = arith.constant 0 : i32
      %dma_wait3A_157 = tpu.memref_slice %arg8[%dma_wait3A_155, %dma_wait3A_156] : memref<896x32xf32, #tpu.memory_space<vmem>> -> memref<128x32xf32, #tpu.memory_space<vmem>>
      %dma_wait3A_158 = arith.constant 0 : i32
      %dma_wait3A_159 = tpu.memref_slice %arg7[%dma_wait3A_154, %dma_wait3A_158] : memref<7x128xi32, #tpu.memory_space<vmem>> -> memref<1x128xi32, #tpu.memory_space<vmem>>
      %dma_wait3A_160 = tpu.memref_squeeze %dma_wait3A_159 : memref<1x128xi32, #tpu.memory_space<vmem>> -> memref<128xi32, #tpu.memory_space<vmem>>
      %dma_wait3A_161 = arith.constant 0 : i32
      %dma_wait3A_162 = arith.constant 0 : i32
      %dma_wait3A_163 = tpu.memref_slice %arg6[%dma_wait3A_161, %dma_wait3A_162] : memref<50008x32xf32, #tpu.memory_space<vmem_shared>> -> memref<50008x32xf32, #tpu.memory_space<vmem_shared>>
      tpu.wait_indirect_dma semaphore(%arg9 : memref<!tpu.dma_semaphore, #tpu.memory_space<semaphore_mem>>) src(%dma_wait3A_157 : memref<128x32xf32, #tpu.memory_space<vmem>>) dst(%dma_wait3A_163 : memref<50008x32xf32, #tpu.memory_space<vmem_shared>>)
    }
    %scan3A_11 = arith.constant 14 : i32
    %barrier3A_12 = arith.constant 0 : index
    tpu.barrier barrier_id(%barrier3A_12)
    %mul3A_13 = arith.constant 3125 : i32
    %mul3A_14 = arith.muli %arg1, %mul3A_13 : i32
    %mul3A_15 = arith.constant 50000 : i32
    %mul3A_16 = arith.muli %arg0, %mul3A_15 : i32
    %mul3A_17 = arith.constant 3125 : i32
    %mul3A_18 = arith.muli %arg1, %mul3A_17 : i32
    %add3A_19 = arith.addi %mul3A_16, %mul3A_18 : i32
    "tpu.region"() ({
      %run_scoped3A = tpu.sem_alloc : memref<!tpu.dma_semaphore, #tpu.memory_space<semaphore_mem>>
      %dma_start3A = arith.constant 0 : i32
      %dma_start3A_20 = tpu.memref_slice %arg5[%add3A_19, %dma_start3A] : memref<100000x32xf32, #tpu.memory_space<hbm>> -> memref<3125x32xf32, #tpu.memory_space<hbm>>
      %dma_start3A_21 = arith.constant 0 : i32
      %dma_start3A_22 = tpu.memref_slice %arg6[%mul3A_14, %dma_start3A_21] : memref<50008x32xf32, #tpu.memory_space<vmem_shared>> -> memref<3125x32xf32, #tpu.memory_space<vmem_shared>>
      tpu.enqueue_dma source(%dma_start3A_22 : memref<3125x32xf32, #tpu.memory_space<vmem_shared>>) target(%dma_start3A_20 : memref<3125x32xf32, #tpu.memory_space<hbm>>) target_semaphore(%run_scoped3A : memref<!tpu.dma_semaphore, #tpu.memory_space<semaphore_mem>>)
      %dma_wait3A = arith.constant 0 : i32
      %dma_wait3A_23 = tpu.memref_slice %arg5[%add3A_19, %dma_wait3A] : memref<100000x32xf32, #tpu.memory_space<hbm>> -> memref<3125x32xf32, #tpu.memory_space<hbm>>
      %dma_wait3A_24 = arith.constant 0 : i32
      %dma_wait3A_25 = tpu.memref_slice %arg6[%mul3A_14, %dma_wait3A_24] : memref<50008x32xf32, #tpu.memory_space<vmem_shared>> -> memref<3125x32xf32, #tpu.memory_space<vmem_shared>>
      tpu.wait_dma2 semaphore(%run_scoped3A : memref<!tpu.dma_semaphore, #tpu.memory_space<semaphore_mem>>) src(%dma_wait3A_25 : memref<3125x32xf32, #tpu.memory_space<vmem_shared>>) dst(%dma_wait3A_23 : memref<3125x32xf32, #tpu.memory_space<hbm>>)
      tpu.yield
    }) : () -> ()
    return
  }
}

module attributes {stable_mosaic.version = 14 : i64} {
  func.func @_edge_body(%arg0: i32, %arg1: memref<400x32xf32, #tpu.memory_space<vmem>>, %arg2: memref<400x128xf32, #tpu.memory_space<vmem>>, %arg3: memref<1x256xf32, #tpu.memory_space<vmem>>, %arg4: memref<1x2048xf32, #tpu.memory_space<vmem>>, %arg5: memref<32x256xf32, #tpu.memory_space<vmem>>, %arg6: memref<256x2048xf32, #tpu.memory_space<vmem>>, %arg7: memref<128x2048xf32, #tpu.memory_space<vmem>>, %arg8: memref<2048x256xf32, #tpu.memory_space<vmem>>, %arg9: memref<1x256xf32, #tpu.memory_space<vmem>>, %arg10: memref<400x256xf32, #tpu.memory_space<vmem>>) attributes {dimension_semantics = [#tpu.dimension_semantics<arbitrary>], iteration_bounds = array<i64: 125>, scalar_prefetch = 0 : i64, scratch_operands = 0 : i64, tpu.core_type = #tpu.core_type<tc>, window_params = [{transform_indices = @transform_0, window_bounds = array<i64: 400, 32>}, {transform_indices = @transform_1, window_bounds = array<i64: 400, 128>}, {pipeline_mode = #tpu.pipeline_mode<synchronous>, transform_indices = @transform_2, window_bounds = array<i64: 1, 256>}, {pipeline_mode = #tpu.pipeline_mode<synchronous>, transform_indices = @transform_3, window_bounds = array<i64: 1, 2048>}, {pipeline_mode = #tpu.pipeline_mode<synchronous>, transform_indices = @transform_4, window_bounds = array<i64: 32, 256>}, {pipeline_mode = #tpu.pipeline_mode<synchronous>, transform_indices = @transform_5, window_bounds = array<i64: 256, 2048>}, {pipeline_mode = #tpu.pipeline_mode<synchronous>, transform_indices = @transform_6, window_bounds = array<i64: 128, 2048>}, {pipeline_mode = #tpu.pipeline_mode<synchronous>, transform_indices = @transform_7, window_bounds = array<i64: 2048, 256>}, {pipeline_mode = #tpu.pipeline_mode<synchronous>, transform_indices = @transform_8, window_bounds = array<i64: 1, 256>}, {transform_indices = @transform_9, window_bounds = array<i64: 400, 256>}]} {
    %get3A = arith.constant 0 : index
    %get3A_0 = arith.constant 0 : index
    %get3A_1 = vector.load %arg1[%get3A, %get3A_0] : memref<400x32xf32, #tpu.memory_space<vmem>>, vector<400x32xf32>
    %get3A_2 = arith.constant 0 : index
    %get3A_3 = arith.constant 0 : index
    %get3A_4 = vector.load %arg5[%get3A_2, %get3A_3] : memref<32x256xf32, #tpu.memory_space<vmem>>, vector<32x256xf32>
    %dot_general3A = arith.constant dense<0.000000e+00> : vector<400x256xf32>
    %dot_general3A_5 = tpu.matmul %get3A_1, %get3A_4, %dot_general3A {dimension_numbers = #tpu.dot_dimension_numbers<[1], [0], [0], [1], [0, 0, 1, 1], [], []>, transpose_lhs_hint = false} : vector<400x32xf32>, vector<32x256xf32>, vector<400x256xf32> -> vector<400x256xf32>
    %get3A_6 = arith.constant 0 : index
    %get3A_7 = arith.constant 0 : index
    %get3A_8 = vector.load %arg3[%get3A_6, %get3A_7] : memref<1x256xf32, #tpu.memory_space<vmem>>, vector<1x256xf32>
    %add3A = vector.broadcast %get3A_8 : vector<1x256xf32> to vector<400x256xf32>
    %add3A_9 = arith.addf %dot_general3A_5, %add3A : vector<400x256xf32>
    %max3A = arith.constant 0.000000e+00 : f32
    %max3A_10 = vector.broadcast %max3A : f32 to vector<400x256xf32>
    %max3A_11 = arith.maximumf %add3A_9, %max3A_10 : vector<400x256xf32>
    %get3A_12 = arith.constant 0 : index
    %get3A_13 = arith.constant 0 : index
    %get3A_14 = vector.load %arg6[%get3A_12, %get3A_13] : memref<256x2048xf32, #tpu.memory_space<vmem>>, vector<256x2048xf32>
    %dot_general3A_15 = arith.constant dense<0.000000e+00> : vector<400x2048xf32>
    %dot_general3A_16 = tpu.matmul %max3A_11, %get3A_14, %dot_general3A_15 {dimension_numbers = #tpu.dot_dimension_numbers<[1], [0], [0], [1], [0, 0, 1, 1], [], []>, transpose_lhs_hint = false} : vector<400x256xf32>, vector<256x2048xf32>, vector<400x2048xf32> -> vector<400x2048xf32>
    %get3A_17 = arith.constant 0 : index
    %get3A_18 = arith.constant 0 : index
    %get3A_19 = vector.load %arg4[%get3A_17, %get3A_18] : memref<1x2048xf32, #tpu.memory_space<vmem>>, vector<1x2048xf32>
    %add3A_20 = vector.broadcast %get3A_19 : vector<1x2048xf32> to vector<400x2048xf32>
    %add3A_21 = arith.addf %dot_general3A_16, %add3A_20 : vector<400x2048xf32>
    %get3A_22 = arith.constant 0 : index
    %get3A_23 = arith.constant 0 : index
    %get3A_24 = vector.load %arg2[%get3A_22, %get3A_23] : memref<400x128xf32, #tpu.memory_space<vmem>>, vector<400x128xf32>
    %get3A_25 = arith.constant 0 : index
    %get3A_26 = arith.constant 0 : index
    %get3A_27 = vector.load %arg7[%get3A_25, %get3A_26] : memref<128x2048xf32, #tpu.memory_space<vmem>>, vector<128x2048xf32>
    %dot_general3A_28 = arith.constant dense<0.000000e+00> : vector<400x2048xf32>
    %dot_general3A_29 = tpu.matmul %get3A_24, %get3A_27, %dot_general3A_28 {dimension_numbers = #tpu.dot_dimension_numbers<[1], [0], [0], [1], [0, 0, 1, 1], [], []>, transpose_lhs_hint = false} : vector<400x128xf32>, vector<128x2048xf32>, vector<400x2048xf32> -> vector<400x2048xf32>
    %mul3A = arith.mulf %add3A_21, %dot_general3A_29 : vector<400x2048xf32>
    %get3A_30 = arith.constant 0 : index
    %get3A_31 = arith.constant 0 : index
    %get3A_32 = vector.load %arg8[%get3A_30, %get3A_31] : memref<2048x256xf32, #tpu.memory_space<vmem>>, vector<2048x256xf32>
    %dot_general3A_33 = arith.constant dense<0.000000e+00> : vector<400x256xf32>
    %dot_general3A_34 = tpu.matmul %mul3A, %get3A_32, %dot_general3A_33 {dimension_numbers = #tpu.dot_dimension_numbers<[1], [0], [0], [1], [0, 0, 1, 1], [], []>, transpose_lhs_hint = false} : vector<400x2048xf32>, vector<2048x256xf32>, vector<400x256xf32> -> vector<400x256xf32>
    %get3A_35 = arith.constant 0 : index
    %get3A_36 = arith.constant 0 : index
    %get3A_37 = vector.load %arg9[%get3A_35, %get3A_36] : memref<1x256xf32, #tpu.memory_space<vmem>>, vector<1x256xf32>
    %add3A_38 = vector.broadcast %get3A_37 : vector<1x256xf32> to vector<400x256xf32>
    %add3A_39 = arith.addf %dot_general3A_34, %add3A_38 : vector<400x256xf32>
    %swap3A = arith.constant 0 : index
    %swap3A_40 = arith.constant 0 : index
    %swap3A_41 = vector.load %arg10[%swap3A, %swap3A_40] : memref<400x256xf32, #tpu.memory_space<vmem>>, vector<400x256xf32>
    tpu.vector_store %arg10[%swap3A, %swap3A_40], %add3A_39 {strides = array<i32>} : memref<400x256xf32, #tpu.memory_space<vmem>>, vector<400x256xf32>,
    return
  }
  func.func @transform_0(%arg0: i32) -> (i32, i32) {
    %c0_i32 = arith.constant 0 : i32
    %c0_i32_0 = arith.constant 0 : i32
    return %arg0, %c0_i32 : i32, i32
  }
  func.func @transform_1(%arg0: i32) -> (i32, i32) {
    %c0_i32 = arith.constant 0 : i32
    %c0_i32_0 = arith.constant 0 : i32
    return %arg0, %c0_i32 : i32, i32
  }
  func.func @transform_2(%arg0: i32) -> (i32, i32) {
    %c0_i32 = arith.constant 0 : i32
    %c0_i32_0 = arith.constant 0 : i32
    %c0_i32_1 = arith.constant 0 : i32
    return %c0_i32, %c0_i32_0 : i32, i32
  }
  func.func @transform_3(%arg0: i32) -> (i32, i32) {
    %c0_i32 = arith.constant 0 : i32
    %c0_i32_0 = arith.constant 0 : i32
    %c0_i32_1 = arith.constant 0 : i32
    return %c0_i32, %c0_i32_0 : i32, i32
  }
  func.func @transform_4(%arg0: i32) -> (i32, i32) {
    %c0_i32 = arith.constant 0 : i32
    %c0_i32_0 = arith.constant 0 : i32
    %c0_i32_1 = arith.constant 0 : i32
    return %c0_i32, %c0_i32_0 : i32, i32
  }
  func.func @transform_5(%arg0: i32) -> (i32, i32) {
    %c0_i32 = arith.constant 0 : i32
    %c0_i32_0 = arith.constant 0 : i32
    %c0_i32_1 = arith.constant 0 : i32
    return %c0_i32, %c0_i32_0 : i32, i32
  }
  func.func @transform_6(%arg0: i32) -> (i32, i32) {
    %c0_i32 = arith.constant 0 : i32
    %c0_i32_0 = arith.constant 0 : i32
    %c0_i32_1 = arith.constant 0 : i32
    return %c0_i32, %c0_i32_0 : i32, i32
  }
  func.func @transform_7(%arg0: i32) -> (i32, i32) {
    %c0_i32 = arith.constant 0 : i32
    %c0_i32_0 = arith.constant 0 : i32
    %c0_i32_1 = arith.constant 0 : i32
    return %c0_i32, %c0_i32_0 : i32, i32
  }
  func.func @transform_8(%arg0: i32) -> (i32, i32) {
    %c0_i32 = arith.constant 0 : i32
    %c0_i32_0 = arith.constant 0 : i32
    %c0_i32_1 = arith.constant 0 : i32
    return %c0_i32, %c0_i32_0 : i32, i32
  }
  func.func @transform_9(%arg0: i32) -> (i32, i32) {
    %c0_i32 = arith.constant 0 : i32
    %c0_i32_0 = arith.constant 0 : i32
    return %arg0, %c0_i32 : i32, i32
  }
}

module attributes {stable_mosaic.version = 14 : i64} {
  func.func @_dense_body(%arg0: i32, %arg1: memref<2000x16xf32, #tpu.memory_space<vmem>>, %arg2: memref<2000x16xf32, #tpu.memory_space<vmem>>, %arg3: memref<2000x16xf32, #tpu.memory_space<vmem>>, %arg4: memref<2000x32xf32, #tpu.memory_space<vmem>>, %arg5: memref<2000x32xf32, #tpu.memory_space<vmem>>, %arg6: memref<16x16xf32, #tpu.memory_space<vmem>>, %arg7: memref<1x16xf32, #tpu.memory_space<vmem>>, %arg8: memref<48x48xf32, #tpu.memory_space<vmem>>, %arg9: memref<1x48xf32, #tpu.memory_space<vmem>>, %arg10: memref<48x16xf32, #tpu.memory_space<vmem>>, %arg11: memref<1x16xf32, #tpu.memory_space<vmem>>, %arg12: memref<2000x16xf32, #tpu.memory_space<vmem>>, %arg13: memref<2000x16xf32, #tpu.memory_space<vmem>>) attributes {dimension_semantics = [#tpu.dimension_semantics<arbitrary>], iteration_bounds = array<i64: 25>, scalar_prefetch = 0 : i64, scratch_operands = 0 : i64, tpu.core_type = #tpu.core_type<tc>, window_params = [{transform_indices = @transform_0, window_bounds = array<i64: 2000, 16>}, {transform_indices = @transform_1, window_bounds = array<i64: 2000, 16>}, {transform_indices = @transform_2, window_bounds = array<i64: 2000, 16>}, {transform_indices = @transform_3, window_bounds = array<i64: 2000, 32>}, {transform_indices = @transform_4, window_bounds = array<i64: 2000, 32>}, {pipeline_mode = #tpu.pipeline_mode<synchronous>, transform_indices = @transform_5, window_bounds = array<i64: 16, 16>}, {pipeline_mode = #tpu.pipeline_mode<synchronous>, transform_indices = @transform_6, window_bounds = array<i64: 1, 16>}, {pipeline_mode = #tpu.pipeline_mode<synchronous>, transform_indices = @transform_7, window_bounds = array<i64: 48, 48>}, {pipeline_mode = #tpu.pipeline_mode<synchronous>, transform_indices = @transform_8, window_bounds = array<i64: 1, 48>}, {pipeline_mode = #tpu.pipeline_mode<synchronous>, transform_indices = @transform_9, window_bounds = array<i64: 48, 16>}, {pipeline_mode = #tpu.pipeline_mode<synchronous>, transform_indices = @transform_10, window_bounds = array<i64: 1, 16>}, {transform_indices = @transform_11, window_bounds = array<i64: 2000, 16>}, {transform_indices = @transform_12, window_bounds = array<i64: 2000, 16>}]} {
    %get3A = arith.constant 0 : index
    %get3A_0 = arith.constant 0 : index
    %get3A_1 = vector.load %arg4[%get3A, %get3A_0] : memref<2000x32xf32, #tpu.memory_space<vmem>>, vector<2000x32xf32>
    %get3A_2 = arith.constant 0 : index
    %get3A_3 = arith.constant 0 : index
    %get3A_4 = vector.load %arg5[%get3A_2, %get3A_3] : memref<2000x32xf32, #tpu.memory_space<vmem>>, vector<2000x32xf32>
    %slice3A = vector.extract_strided_slice %get3A_1 {offsets = [0, 0], sizes = [2000, 16], strides = [1, 1]} : vector<2000x32xf32> to vector<2000x16xf32>
    %slice3A_5 = vector.extract_strided_slice %get3A_4 {offsets = [0, 0], sizes = [2000, 16], strides = [1, 1]} : vector<2000x32xf32> to vector<2000x16xf32>
    %add3A = arith.addf %slice3A, %slice3A_5 : vector<2000x16xf32>
    %slice3A_6 = vector.extract_strided_slice %get3A_1 {offsets = [0, 16], sizes = [2000, 16], strides = [1, 1]} : vector<2000x32xf32> to vector<2000x16xf32>
    %slice3A_7 = vector.extract_strided_slice %get3A_4 {offsets = [0, 16], sizes = [2000, 16], strides = [1, 1]} : vector<2000x32xf32> to vector<2000x16xf32>
    %add3A_8 = arith.addf %slice3A_6, %slice3A_7 : vector<2000x16xf32>
    %max3A = arith.constant 1.000000e+00 : f32
    %max3A_9 = vector.broadcast %max3A : f32 to vector<2000x16xf32>
    %max3A_10 = arith.maximumf %add3A_8, %max3A_9 : vector<2000x16xf32>
    %div3A = arith.divf %add3A, %max3A_10 : vector<2000x16xf32>
    %get3A_11 = arith.constant 0 : index
    %get3A_12 = arith.constant 0 : index
    %get3A_13 = vector.load %arg1[%get3A_11, %get3A_12] : memref<2000x16xf32, #tpu.memory_space<vmem>>, vector<2000x16xf32>
    %get3A_14 = arith.constant 0 : index
    %get3A_15 = arith.constant 0 : index
    %get3A_16 = vector.load %arg6[%get3A_14, %get3A_15] : memref<16x16xf32, #tpu.memory_space<vmem>>, vector<16x16xf32>
    %dot_general3A = arith.constant dense<0.000000e+00> : vector<2000x16xf32>
    %dot_general3A_17 = tpu.matmul %get3A_13, %get3A_16, %dot_general3A {dimension_numbers = #tpu.dot_dimension_numbers<[1], [0], [0], [1], [0, 0, 1, 1], [], []>, transpose_lhs_hint = false} : vector<2000x16xf32>, vector<16x16xf32>, vector<2000x16xf32> -> vector<2000x16xf32>
    %add3A_18 = arith.addf %div3A, %dot_general3A_17 : vector<2000x16xf32>
    %get3A_19 = arith.constant 0 : index
    %get3A_20 = arith.constant 0 : index
    %get3A_21 = vector.load %arg7[%get3A_19, %get3A_20] : memref<1x16xf32, #tpu.memory_space<vmem>>, vector<1x16xf32>
    %add3A_22 = vector.broadcast %get3A_21 : vector<1x16xf32> to vector<2000x16xf32>
    %add3A_23 = arith.addf %add3A_18, %add3A_22 : vector<2000x16xf32>
    %max3A_24 = arith.constant 0.000000e+00 : f32
    %max3A_25 = vector.broadcast %max3A_24 : f32 to vector<2000x16xf32>
    %max3A_26 = arith.maximumf %add3A_23, %max3A_25 : vector<2000x16xf32>
    %get3A_27 = arith.constant 0 : index
    %get3A_28 = arith.constant 0 : index
    %get3A_29 = vector.load %arg2[%get3A_27, %get3A_28] : memref<2000x16xf32, #tpu.memory_space<vmem>>, vector<2000x16xf32>
    %get3A_30 = arith.constant 0 : index
    %get3A_31 = arith.constant 0 : index
    %get3A_32 = vector.load %arg3[%get3A_30, %get3A_31] : memref<2000x16xf32, #tpu.memory_space<vmem>>, vector<2000x16xf32>
    %concatenate3A = tpu.concatenate %get3A_29, %get3A_32, %max3A_26 in 1 : vector<2000x16xf32>, vector<2000x16xf32>, vector<2000x16xf32> -> vector<2000x48xf32>
    %get3A_33 = arith.constant 0 : index
    %get3A_34 = arith.constant 0 : index
    %get3A_35 = vector.load %arg8[%get3A_33, %get3A_34] : memref<48x48xf32, #tpu.memory_space<vmem>>, vector<48x48xf32>
    %dot_general3A_36 = arith.constant dense<0.000000e+00> : vector<2000x48xf32>
    %dot_general3A_37 = tpu.matmul %concatenate3A, %get3A_35, %dot_general3A_36 {dimension_numbers = #tpu.dot_dimension_numbers<[1], [0], [0], [1], [0, 0, 1, 1], [], []>, transpose_lhs_hint = false} : vector<2000x48xf32>, vector<48x48xf32>, vector<2000x48xf32> -> vector<2000x48xf32>
    %get3A_38 = arith.constant 0 : index
    %get3A_39 = arith.constant 0 : index
    %get3A_40 = vector.load %arg9[%get3A_38, %get3A_39] : memref<1x48xf32, #tpu.memory_space<vmem>>, vector<1x48xf32>
    %add3A_41 = vector.broadcast %get3A_40 : vector<1x48xf32> to vector<2000x48xf32>
    %add3A_42 = arith.addf %dot_general3A_37, %add3A_41 : vector<2000x48xf32>
    %get3A_43 = arith.constant 0 : index
    %get3A_44 = arith.constant 0 : index
    %get3A_45 = vector.load %arg10[%get3A_43, %get3A_44] : memref<48x16xf32, #tpu.memory_space<vmem>>, vector<48x16xf32>
    %dot_general3A_46 = arith.constant dense<0.000000e+00> : vector<2000x16xf32>
    %dot_general3A_47 = tpu.matmul %add3A_42, %get3A_45, %dot_general3A_46 {dimension_numbers = #tpu.dot_dimension_numbers<[1], [0], [0], [1], [0, 0, 1, 1], [], []>, transpose_lhs_hint = false} : vector<2000x48xf32>, vector<48x16xf32>, vector<2000x16xf32> -> vector<2000x16xf32>
    %get3A_48 = arith.constant 0 : index
    %get3A_49 = arith.constant 0 : index
    %get3A_50 = vector.load %arg11[%get3A_48, %get3A_49] : memref<1x16xf32, #tpu.memory_space<vmem>>, vector<1x16xf32>
    %add3A_51 = vector.broadcast %get3A_50 : vector<1x16xf32> to vector<2000x16xf32>
    %add3A_52 = arith.addf %dot_general3A_47, %add3A_51 : vector<2000x16xf32>
    %swap3A = arith.constant 0 : index
    %swap3A_53 = arith.constant 0 : index
    %swap3A_54 = vector.load %arg12[%swap3A, %swap3A_53] : memref<2000x16xf32, #tpu.memory_space<vmem>>, vector<2000x16xf32>
    tpu.vector_store %arg12[%swap3A, %swap3A_53], %add3A_52 {strides = array<i32>} : memref<2000x16xf32, #tpu.memory_space<vmem>>, vector<2000x16xf32>,
    %swap3A_55 = arith.constant 0 : index
    %swap3A_56 = arith.constant 0 : index
    %swap3A_57 = vector.load %arg13[%swap3A_55, %swap3A_56] : memref<2000x16xf32, #tpu.memory_space<vmem>>, vector<2000x16xf32>
    tpu.vector_store %arg13[%swap3A_55, %swap3A_56], %max3A_26 {strides = array<i32>} : memref<2000x16xf32, #tpu.memory_space<vmem>>, vector<2000x16xf32>,
    return
  }
  func.func @transform_0(%arg0: i32) -> (i32, i32) {
    %c0_i32 = arith.constant 0 : i32
    %c0_i32_0 = arith.constant 0 : i32
    return %arg0, %c0_i32 : i32, i32
  }
  func.func @transform_1(%arg0: i32) -> (i32, i32) {
    %c0_i32 = arith.constant 0 : i32
    %c0_i32_0 = arith.constant 0 : i32
    return %arg0, %c0_i32 : i32, i32
  }
  func.func @transform_2(%arg0: i32) -> (i32, i32) {
    %c0_i32 = arith.constant 0 : i32
    %c0_i32_0 = arith.constant 0 : i32
    return %arg0, %c0_i32 : i32, i32
  }
  func.func @transform_3(%arg0: i32) -> (i32, i32) {
    %c0_i32 = arith.constant 0 : i32
    %c0_i32_0 = arith.constant 0 : i32
    return %arg0, %c0_i32 : i32, i32
  }
  func.func @transform_4(%arg0: i32) -> (i32, i32) {
    %add3A = arith.constant 25 : i32
    %add3A_0 = arith.addi %arg0, %add3A : i32
    %c0_i32 = arith.constant 0 : i32
    %c0_i32_1 = arith.constant 0 : i32
    return %add3A_0, %c0_i32 : i32, i32
  }
  func.func @transform_5(%arg0: i32) -> (i32, i32) {
    %c0_i32 = arith.constant 0 : i32
    %c0_i32_0 = arith.constant 0 : i32
    %c0_i32_1 = arith.constant 0 : i32
    return %c0_i32, %c0_i32_0 : i32, i32
  }
  func.func @transform_6(%arg0: i32) -> (i32, i32) {
    %c0_i32 = arith.constant 0 : i32
    %c0_i32_0 = arith.constant 0 : i32
    %c0_i32_1 = arith.constant 0 : i32
    return %c0_i32, %c0_i32_0 : i32, i32
  }
  func.func @transform_7(%arg0: i32) -> (i32, i32) {
    %c0_i32 = arith.constant 0 : i32
    %c0_i32_0 = arith.constant 0 : i32
    %c0_i32_1 = arith.constant 0 : i32
    return %c0_i32, %c0_i32_0 : i32, i32
  }
  func.func @transform_8(%arg0: i32) -> (i32, i32) {
    %c0_i32 = arith.constant 0 : i32
    %c0_i32_0 = arith.constant 0 : i32
    %c0_i32_1 = arith.constant 0 : i32
    return %c0_i32, %c0_i32_0 : i32, i32
  }
  func.func @transform_9(%arg0: i32) -> (i32, i32) {
    %c0_i32 = arith.constant 0 : i32
    %c0_i32_0 = arith.constant 0 : i32
    %c0_i32_1 = arith.constant 0 : i32
    return %c0_i32, %c0_i32_0 : i32, i32
  }
  func.func @transform_10(%arg0: i32) -> (i32, i32) {
    %c0_i32 = arith.constant 0 : i32
    %c0_i32_0 = arith.constant 0 : i32
    %c0_i32_1 = arith.constant 0 : i32
    return %c0_i32, %c0_i32_0 : i32, i32
  }
  func.func @transform_11(%arg0: i32) -> (i32, i32) {
    %c0_i32 = arith.constant 0 : i32
    %c0_i32_0 = arith.constant 0 : i32
    return %arg0, %c0_i32 : i32, i32
  }
  func.func @transform_12(%arg0: i32) -> (i32, i32) {
    %c0_i32 = arith.constant 0 : i32
    %c0_i32_0 = arith.constant 0 : i32
    return %arg0, %c0_i32 : i32, i32
  }
}

</mosaic_0001>

<sc_bundles>
// kernel: kernel.6.cloned.1.call-start
scs
__scs_entry_jumppad:
0x0: {  	(pc) =	sbr.rel $0x88, $3  }
0x1: {  	(tag) =	ssettag $0x0;
	lr =	simm.s32 $0x1  }
0x2: {  	[smem:$0x3F8F] =	sst lr;
	_ =	strace $0xD0000000  }
0x3: {  	_ = 	snop  }
0x4: {  	_ = 	snop  }
0x5: {  	_ = 	snop  }
0x6: {  	_ = 	snop  }
0x7: {  	_ = 	snop  }
__scs_overlays_trampoline_lowered:
0x8: {  	[smem:$0x3F9E] =	sst s0  }
0x9: {  	[smem:$0x3F9F] =	sst s1  }
0xa: {  	[smem:$0x3FA0] =	sst s2  }
0xb: {  	[smem:$0x3FA1] =	sst s3  }
0xc: {  	[smem:$0x3FA2] =	sst s4  }
0xd: {  	[smem:$0x3FA3] =	sst s5  }
0xe: {  	[smem:$0x3FA4] =	sst s6  }
0xf: {  	[smem:$0x3FA5] =	sst s7  }
0x10: {  	[smem:$0x3FA6] =	sst s8  }
0x11: {  	[smem:$0x3FA7] =	sst s9;
	s0 =	simm.s32 @!p0 $0x0  }
0x12: {  	s1 =	sld [smem:$0x3F8D];
	s0 =	simm.s32 @p0 $0x1  }
0x13: {  	[smem:$0x3FA8] =	sst s0;
	s0 =	simm.s32 @!p1 $0x0  }
0x14: {  	s2 =	sld [smem:$0x3F8C];
	s0 =	simm.s32 @p1 $0x1  }
0x15: {  	[smem:$0x3FA9] =	sst s0;
	s0 =	simm.s32 @!p2 $0x0  }
0x16: {  	s3 =	sld [smem:$0x3FDB];
	s0 =	simm.s32 @p2 $0x1  }
0x17: {  	s4 =	simm.s32 $0x1BF5;
	[smem:$0x3FAB] =	sst s0  }
0x18: {  	s0 =	sld [smem:$0x3F8E];
	_ =	swait.ge [sflag:s4], $0x0  }
0x19: {  	s7 =	sld [smem:$0x3F8F]  }
0x1a: {  	s8 =	sadd.s32 $0xFFFFE003, lr  }
0x1b: {  	s9 =	sadd.s32 $0xFFFFFEF7, lr;
	s5 =	simm.s32 $0xFFFFFFFF;
	p2 =	slt.u32 s8, $0xFFFFF086  }
0x1c: {  	p1 =	slt.u32 s9, $0xF7A;
	s5 =	simm.s32 @!p2 $0x0  }
0x1d: {  	s5 =	simm.s32 @p1 $0x1;
	p0 =	seq.s32 s7, s2  }
0x1e: {  	s7 =	smul.u32 @!p0 $0xF7A, s2;
	p2 =	seq.s32 @!p0 s5, $0x0  }
0x1f: {  	s9 =	smul.u32 $0xF7A, s1;
	s8 =	simm.s32 @!p0 $0x1BF5;
	p2 =	por !p2, p0  }
0x20: {  	[sflag:s8] =	ssyncset.s32 @!p0 $0xFFFFF086;
	s6 =	sadd.s32 @!p0 s3, s7;
	s7 =	simm.s32 @!p0 $0x108  }
0x21: {  	s3 =	sadd.s32 s3, s9;
	s6 =	sadd.s32 @!p0 $0x88, s6;
	s7 =	simm.s32 @p2 $0x1082  }
0x22: {  	[simem:s7], [sflag:s8] =	dma.local @!p0 [hbm:s6], $0xF7A  }
0x23: {  	s9 =	sor.u32 $0xD0000000, s2;
	s6 =	simm.s32 $0x108;
	_ =	swait.ge @!p0 [sflag:s8], $0x0  }
0x24: {  	s3 =	sadd.s32 $0x88, s3;
	s6 =	simm.s32 @!p1 $0x1082;
	[sflag:s4] =	ssyncset.s32 $0xFFFFF086  }
0x25: {  	[simem:s6], [sflag:s4] =	dma.local [hbm:s3], $0xF7A  }
0x26: {  	[smem:$0x3F8F] =	sst s1;
	(tag) =	ssettag s2;
	_ =	strace s9  }
0x27: {  	s1 =	sld [smem:$0x3F9F]  }
0x28: {  	s2 =	sld [smem:$0x3FA0]  }
0x29: {  	s4 =	sld [smem:$0x3FA2]  }
0x2a: {  	p0 =	seq.s32 s5, $0x0;
	s5 =	sld [smem:$0x3FA3]  }
0x2b: {  	s6 =	sld [smem:$0x3FA4]  }
0x2c: {  	s7 =	sld [smem:$0x3FA5]  }
0x2d: {  	s3 =	simm.s32 $0x108;
	s8 =	sld [smem:$0x3FA6]  }
0x2e: {  	s3 =	simm.s32 @!p0 $0x1082;
	s9 =	sld [smem:$0x3FA7]  }
0x2f: {  	lr =	sadd.s32 s0, s3;
	s0 =	sld [smem:$0x3F9E]  }
0x30: {  	s3 =	sld [smem:$0x3FA1]  }
0x31: {  	[smem:$0x3FAA] =	sst s10  }
0x32: {  	s10 =	sld [smem:$0x3FA8];
	_ =	sdelay $0x3  }
0x33: {  	p0 =	seq.s32 s10, $0x1;
	s10 =	sld [smem:$0x3FAA];
	_ =	sdelay $0x3  }
0x34: {  	[smem:$0x3FAA] =	sst s10  }
0x35: {  	s10 =	sld [smem:$0x3FA9];
	_ =	sdelay $0x3  }
0x36: {  	p1 =	seq.s32 s10, $0x1;
	s10 =	sld [smem:$0x3FAA];
	_ =	sdelay $0x3  }
0x37: {  	[smem:$0x3FAA] =	sst s10  }
0x38: {  	s10 =	sld [smem:$0x3FAB]  }
0x39: {  	_ = 	snop;
	(pc) =	sbr.ind lr, $3  }
0x3a: {  	_ = 	snop  }
0x3b: {  	_ = 	snop  }
0x3c: {  	p2 =	seq.s32 s10, $0x1;
	s10 =	sld [smem:$0x3FAA]  }
0x3d: {  	_ =	shalt  }
0x3e: {  	_ =	shalt  }
0x3f: {  	_ =	shalt  }
0x40: {  	_ =	shalt  }
0x41: {  	_ =	shalt  }
0x42: {  	_ =	shalt  }
0x43: {  	_ =	shalt  }
0x44: {  	_ =	shalt  }
0x45: {  	_ =	shalt  }
0x46: {  	_ =	shalt  }
0x47: {  	_ =	shalt  }
0x48: {  	_ =	shalt  }
0x49: {  	_ =	shalt  }
0x4a: {  	_ =	shalt  }
0x4b: {  	_ =	shalt  }
0x4c: {  	_ =	shalt  }
0x4d: {  	_ =	shalt  }
0x4e: {  	_ =	shalt  }
0x4f: {  	_ =	shalt  }
0x50: {  	_ =	shalt  }
0x51: {  	_ =	shalt  }
0x52: {  	_ =	shalt  }
0x53: {  	_ =	shalt  }
0x54: {  	_ =	shalt  }
0x55: {  	_ =	shalt  }
0x56: {  	_ =	shalt  }
0x57: {  	_ =	shalt  }
0x58: {  	_ =	shalt  }
0x59: {  	_ =	shalt  }
0x5a: {  	_ =	shalt  }
0x5b: {  	_ =	shalt  }
0x5c: {  	_ =	shalt  }
0x5d: {  	_ =	shalt  }
0x5e: {  	_ =	shalt  }
0x5f: {  	_ =	shalt  }
0x60: {  	_ =	shalt  }
0x61: {  	_ =	shalt  }
0x62: {  	_ =	shalt  }
0x63: {  	_ =	shalt  }
0x64: {  	_ =	shalt  }
0x65: {  	_ =	shalt  }
0x66: {  	_ =	shalt  }
0x67: {  	_ =	shalt  }
0x68: {  	_ =	shalt  }
0x69: {  	_ =	shalt  }
0x6a: {  	_ =	shalt  }
0x6b: {  	_ =	shalt  }
0x6c: {  	_ =	shalt  }
0x6d: {  	_ =	shalt  }
0x6e: {  	_ =	shalt  }
0x6f: {  	_ =	shalt  }
0x70: {  	_ =	shalt  }
0x71: {  	_ =	shalt  }
0x72: {  	_ =	shalt  }
0x73: {  	_ =	shalt  }
0x74: {  	_ =	shalt  }
0x75: {  	_ =	shalt  }
0x76: {  	_ =	shalt  }
0x77: {  	_ =	shalt  }
0x78: {  	_ =	shalt  }
0x79: {  	_ =	shalt  }
0x7a: {  	_ =	shalt  }
0x7b: {  	_ =	shalt  }
0x7c: {  	_ =	shalt  }
0x7d: {  	_ =	shalt  }
0x7e: {  	_ =	shalt  }
0x7f: {  	_ =	shalt  }
0x80: {  	_ =	shalt  }
0x81: {  	_ =	shalt  }
0x82: {  	_ =	shalt  }
0x83: {  	_ =	shalt  }
0x84: {  	_ =	shalt  }
0x85: {  	_ =	shalt  }
0x86: {  	_ =	shalt  }
0x87: {  	_ =	shalt  }
.Lfunc_end0:
.L_simem_size_0:
called_computation.1_lowered:
.L_overlay_start_0:
0x88: {  	s2 =	sld [smem:$0x3FD9]  }
0x89: {  	s3 =	sld [smem:$0x3FFE];
	_ =	sdelay $0x1  }
0x8a: {  	s1 =	srdreg.scid  }
0x8b: {  	s0 =	sand.u32 $0x1, s1  }
0x8c: {  	s14 =	sshll.u32 s0, $0xA;
	s2 =	sadd.s32 s3, s2  }
0x8d: {  	s2 =	sadd.s32 s2, s14  }
0x8e: {  	[smem:$0x3FB6] =	sst s2  }
0x8f: {  	_ = 	snop  }
0x90: {  	s2 =	sld [smem:$0x3FD0];
	_ =	sdelay $0x2  }
0x91: {  	s15 =	simm.s32 $0xA;
	s4 =	simm.s32 $0x10  }
0x92: {  	[smem:s4], [sflag:s15] =	dma.local [hbm:s2], $0x1  }
0x93: {  	_ =	swait.eq [sflag:s15], $0x1  }
0x94: {  	[sflag:s15] =	ssyncset.done $0x0  }
0x95: {  	s16 =	sld [smem:$0x10];
	[sflag:s15] =	ssyncadd.s32 $0xFFFFFFFF  }
0x96: {  	s17 =	sld [smem:$0x11];
	(tm) =	ssettm $0x1  }
0x97: {  	s18 =	sld [smem:$0x3FFB];
	_ =	sdelay $0x3  }
0x98: {  	_ =	strace s18  }
0x99: {  	s4 =	sld [smem:$0x3FFC];
	_ =	sdelay $0x3  }
0x9a: {  	_ =	strace s4  }
0x9b: {  	s4 =	sld [smem:$0x3FFD];
	_ =	sdelay $0x3  }
0x9c: {  	_ =	strace s4  }
0x9d: {  	_ =	strace $0x8FFFFFFF  }
0x9e: {  	s19 =	sld [smem:$0x3FDB];
	_ =	sdelay $0x1  }
0x9f: {  	s5 =	simm.s32 $_scs_section_size  }
0xa0: {  	s6 =	simm.s32 $_size__tile_overlayer_lowered;
	s7 =	simm.s32 $_tile_overlayer_lowered  }
0xa1: {  	s22 =	simm.s32 $0x1BFF;
	s21 =	sshll.u32 s7, $0x1;
	s4 =	sadd.s32 s5, s19  }
0xa2: {  	s8 =	simm.s32 $0x0;
	s20 =	sshll.u32 s6, $0x1;
	s6 =	sadd.s32 s21, s4  }
0xa3: {  	[timem:s8], [sflag:s22] =	dma.local [hbm:s6], s20  }
0xa4: {  	_ =	swait.ge [sflag:s22], s20  }
0xa5: {  	s5 =	ssub.s32 $0x0, s20;
	[sflag:s22] =	ssyncset.done $0x0  }
0xa6: {  	[sflag:s22] =	ssyncadd.s32 s5;
	_ =	sdelay $0x1  }
0xa7: {  	s23 =	simm.s32 $0x1B8B  }
0xa8: {  	_ =	swait.ge [sflag:s23], $0x1  }
0xa9: {  	[sflag:s23] =	ssyncset.done $0x0  }
0xaa: {  	s25 =	simm.s32 $0x1B8E;
	s24 =	sld [smem:$0x3FFE];
	[sflag:s23] =	ssyncadd.s32 $0xFFFFFFFF  }
0xab: {  	s26 =	simm.s32 $execute0_lowered;
	[smem:$0x3FD2] =	sst s25  }
0xac: {  	s6 =	sshll.u32 s26, $0x1;
	_ =	strace $0x80000046;
	[dreg:$0x1] =	wrdreg $0xFFFFFFFF  }
0xad: {  	s28 =	simm.s32 $_size_execute0_lowered;
	s4 =	sadd.s32 s4, s6;
	[dreg:$0x0] =	wrdreg $0x0  }
0xae: {  	s6 =	sshll.u32 s28, $0x1;
	[dreg:$0x2] =	wrdreg s4  }
0xaf: {  	[dreg:$0x3] =	wrdreg s6  }
0xb0: {  	[dreg:$0x4] =	wrdreg $0xC0  }
0xb1: {  	_ =	task [dreg:s8], $0x5FFFF  }
0xb2: {  	[dreg:$0x1] =	wrdreg $0xFFFFFFFF  }
0xb3: {  	[dreg:$0x0] =	wrdreg $0x60  }
0xb4: {  	[dreg:$0x2] =	wrdreg s16  }
0xb5: {  	[dreg:$0x3] =	wrdreg s17  }
0xb6: {  	[dreg:$0x4] =	wrdreg s24  }
0xb7: {  	[dreg:$0x5] =	wrdreg $0x9  }
0xb8: {  	_ =	task.clear_ibuf [dreg:s8], $0x6FFFF;
	_ =	strace $0x90000046  }
0xb9: {  	s29 =	simm.s32 $0x9;
	_ =	strace $0x80000048  }
0xba: {  	_ =	swait.ge [sflag:s29], $0x1  }
0xbb: {  	[sflag:s29] =	ssyncadd.s32 $0xFFFFFFFF  }
0xbc: {  	_ =	strace $0x90000048  }
0xbd: {  	_ =	sfence  }
0xbe: {  	s30 =	sld [smem:$0x0];
	_ =	sdelay $0x2  }
0xbf: {  	s31 =	sshll.u32 s1, $0xD;
	s1 =	sshrl.u32 s1, $0x2  }
0xc0: {  	s3 =	sand.u32 $0x4000, s31;
	s1 =	sadd.s32 s1, s30  }
0xc1: {  	s0 =	sor.u32 s3, s0;
	s1 =	sshll.u32 s1, $0x11  }
0xc2: {  	s0 =	sor.u32 s1, s0  }
0xc3: {  	s0 =	sadd.s32 $0x8F2B, s0  }
0xc4: {  	[sflag:s0] =	ssyncadd.remote.s32 $0x1  }
0xc5: {  	_ =	sfence.sel $0xFFFF  }
0xc6: {  	[dreg:$0x0] =	wrdreg $0xFFFFFFFF;
	(pc) =	sbr.abs _section_cstart, $3  }
0xc7: {  	[dreg:$0x1] =	wrdreg $0xFFFFFFFF  }
0xc8: {  	_ =	task.clear_ibuf [dreg:s8], $0x2FFFF;
	_ =	strace $0x9FFFFFFF  }
0xc9: {  	(tm) =	ssettm $0x7FFFFFFF  }
tec
execute0_lowered:
.L_overlay_start_1:
0x0: {  	(tag) =	ssettag $0x1  }
0x1: {  	s2 =	rddreg [dreg:$0x0]  }
0x2: {  	s0 =	rddreg [dreg:$0x1]  }
0x3: {  	s1 =	rddreg [dreg:$0x2];
	s6 =	stileid.u32  }
0x4: {  	s3 =	simm.s32 $0x0;
	s5 =	srdreg.scid;
	s22 =	simm.s32 $0xF00  }
0x5: {  	s23 =	simm.s32 $0x100;
	s25 =	simm.s32 $0x1700;
	s26 =	simm.s32 $0x180  }
0x6: {  	s31 =	simm.s32 $0x1F00;
	s11 =	simm.s32 $0x280;
	s12 =	simm.s32 $0x2F00  }
0x7: {  	s13 =	simm.s32 $0x300;
	s14 =	simm.s32 $0x3700;
	s15 =	simm.s32 $0x380  }
0x8: {  	s16 =	simm.s32 $0x3F00;
	s17 =	simm.s32 $0x400;
	s18 =	simm.s32 $0x4700  }
0x9: {  	s19 =	simm.s32 $0x480;
	s20 =	simm.s32 $0x4F00;
	[smem:$0x7FF] =	sst s3  }
0xa: {  	s28 =	simm.s32 $0x680;
	_ =	strace $0x80000047;
	[dreg:$0x5] =	wrdreg s22  }
0xb: {  	s29 =	simm.s32 $0x6F00;
	s4 =	smul.u32 $0xC400, s6;
	[dreg:$0x6] =	wrdreg s23  }
0xc: {  	s5 =	sand.u32 $0x1, s5;
	s6 =	smul.u32 $0xC40, s6;
	[dreg:$0x7] =	wrdreg s25  }
0xd: {  	s30 =	simm.s32 $0x1;
	s8 =	smul.u32 $0x620, s5;
	[dreg:$0x8] =	wrdreg s26  }
0xe: {  	s7 =	ssub.s32 $0x2, s5;
	s5 =	smul.u32 $0x6200, s5;
	[dreg:$0x9] =	wrdreg s31  }
0xf: {  	s22 =	simm.s32 $0x5700;
	s23 =	simm.s32 $0x580;
	s25 =	simm.s32 $0x600  }
0x10: {  	s26 =	simm.s32 $0x6700;
	s1 =	sadd.s32 s4, s1;
	s21 =	sshrl.u32 s7, $0x1  }
0x11: {  	s0 =	sadd.s32 s6, s0;
	s6 =	simm.s32 $0x2;
	s4 =	ssub.s32 s7, s21  }
0x12: {  	s0 =	sadd.s32 s8, s0;
	s1 =	sadd.s32 s5, s1;
	s7 =	simm.s32 $0x80  }
0x13: {  	s8 =	simm.s32 $0x700;
	s4 =	smax.u32 s4, $0x1;
	[dreg:$0x4] =	wrdreg s0  }
0x14: {  	s21 =	simm.s32 $0x500;
	s24 =	sadd.s32 $0xD4600, s1;
	[dreg:$0xa] =	wrdreg s4  }
0x15: {  	s1 =	simm.s32 $0x0;
	[dreg:$0xb] =	wrdreg s24;
	s24 =	simm.s32 $0x5F00  }
.LBB2_1:
0x16: {  	s10 =	rddreg [dreg:$0x4]  }
0x17: {  	[dreg:$0xc] =	wrdreg s1;
	s1 =	sadd.s32 $0x0, s10  }
0x18: {  	[tilespmem:s3], [sflag:$0x2] =	stream.linear.gather [hbm4b:s1+s3], $0x700, $0x38;
	[tilespmem:$0x7700] =	vst v63  }
0x19: {  	_ =	swait.ge [sflag:s6], $0x700  }
0x1a: {  	s31 =	rddreg [dreg:$0x6];
	[sflag:s6] =	ssyncset.done $0x0  }
0x1b: {  	s4 =	rddreg [dreg:$0x5];
	[sflag:s6] =	ssyncadd.s32 $0xFFFFF900  }
0x1c: {  	[tilespmem:s8], [sflag:$0x1] =	stream.indirect.gather [hbm4b:s2+s7], $0x10, s3, s7, $0xb8;
	[tilespmem:$0x7700] =	vst v63  }
0x1d: {  	s5 =	rddreg [dreg:$0x7]  }
0x1e: {  	[tilespmem:s4], [sflag:$0x1] =	stream.indirect.gather [hbm4b:s2+s7], $0x10, s7, s7, $0xb8;
	[tilespmem:$0x7700] =	vst v63  }
0x1f: {  	s0 =	rddreg [dreg:$0x9]  }
0x20: {  	[tilespmem:s5], [sflag:$0x1] =	stream.indirect.gather [hbm4b:s2+s7], $0x10, s31, s7, $0xb8;
	[tilespmem:$0x7700] =	vst v63  }
0x21: {  	s9 =	rddreg [dreg:$0x8]  }
0x22: {  	[tilespmem:s0], [sflag:$0x1] =	stream.indirect.gather [hbm4b:s2+s7], $0x10, s9, s7, $0xb8;
	[tilespmem:$0x7700] =	vst v63  }
0x23: {  	s10 =	simm.s32 $0x200;
	s31 =	simm.s32 $0x2700  }
0x24: {  	[tilespmem:s31], [sflag:$0x1] =	stream.indirect.gather [hbm4b:s2+s7], $0x10, s10, s7, $0xb8;
	[tilespmem:$0x7700] =	vst v63  }
0x25: {  	_ = 	snop  }
0x26: {  	[tilespmem:s12], [sflag:$0x1] =	stream.indirect.gather [hbm4b:s2+s7], $0x10, s11, s7, $0xb8;
	[tilespmem:$0x7700] =	vst v63  }
0x27: {  	_ = 	snop  }
0x28: {  	[tilespmem:s14], [sflag:$0x1] =	stream.indirect.gather [hbm4b:s2+s7], $0x10, s13, s7, $0xb8;
	[tilespmem:$0x7700] =	vst v63  }
0x29: {  	_ = 	snop  }
0x2a: {  	[tilespmem:s16], [sflag:$0x1] =	stream.indirect.gather [hbm4b:s2+s7], $0x10, s15, s7, $0xb8;
	[tilespmem:$0x7700] =	vst v63  }
0x2b: {  	_ = 	snop  }
0x2c: {  	[tilespmem:s18], [sflag:$0x1] =	stream.indirect.gather [hbm4b:s2+s7], $0x10, s17, s7, $0xb8;
	[tilespmem:$0x7700] =	vst v63  }
0x2d: {  	_ = 	snop  }
0x2e: {  	[tilespmem:s20], [sflag:$0x1] =	stream.indirect.gather [hbm4b:s2+s7], $0x10, s19, s7, $0xb8;
	[tilespmem:$0x7700] =	vst v63  }
0x2f: {  	_ = 	snop  }
0x30: {  	[tilespmem:s22], [sflag:$0x1] =	stream.indirect.gather [hbm4b:s2+s7], $0x10, s21, s7, $0xb8;
	[tilespmem:$0x7700] =	vst v63  }
0x31: {  	_ = 	snop  }
0x32: {  	[tilespmem:s24], [sflag:$0x1] =	stream.indirect.gather [hbm4b:s2+s7], $0x10, s23, s7, $0xb8;
	[tilespmem:$0x7700] =	vst v63  }
0x33: {  	_ = 	snop  }
0x34: {  	[tilespmem:s26], [sflag:$0x1] =	stream.indirect.gather [hbm4b:s2+s7], $0x10, s25, s7, $0xb8;
	[tilespmem:$0x7700] =	vst v63  }
0x35: {  	_ = 	snop  }
0x36: {  	[tilespmem:s29], [sflag:$0x1] =	stream.indirect.gather [hbm4b:s2+s7], $0x10, s28, s7, $0xb8;
	[tilespmem:$0x7700] =	vst v63  }
0x37: {  	_ =	swait.ge [sflag:s30], $0x800  }
0x38: {  	[sflag:s30] =	ssyncset.done $0x0  }
0x39: {  	[sflag:s30] =	ssyncadd.s32 $0xFFFFF800  }
0x3a: {  	_ =	swait.ge [sflag:s30], $0x800  }
0x3b: {  	[sflag:s30] =	ssyncset.done $0x0  }
0x3c: {  	[sflag:s30] =	ssyncadd.s32 $0xFFFFF800  }
0x3d: {  	_ =	swait.ge [sflag:s30], $0x800  }
0x3e: {  	[sflag:s30] =	ssyncset.done $0x0  }
0x3f: {  	[sflag:s30] =	ssyncadd.s32 $0xFFFFF800  }
0x40: {  	_ =	swait.ge [sflag:s30], $0x800  }
0x41: {  	[sflag:s30] =	ssyncset.done $0x0  }
0x42: {  	[sflag:s30] =	ssyncadd.s32 $0xFFFFF800  }
0x43: {  	_ =	swait.ge [sflag:s30], $0x800  }
0x44: {  	[sflag:s30] =	ssyncset.done $0x0  }
0x45: {  	[sflag:s30] =	ssyncadd.s32 $0xFFFFF800  }
0x46: {  	_ =	swait.ge [sflag:s30], $0x800  }
0x47: {  	[sflag:s30] =	ssyncset.done $0x0  }
0x48: {  	[sflag:s30] =	ssyncadd.s32 $0xFFFFF800  }
0x49: {  	_ =	swait.ge [sflag:s30], $0x800  }
0x4a: {  	[sflag:s30] =	ssyncset.done $0x0  }
0x4b: {  	[sflag:s30] =	ssyncadd.s32 $0xFFFFF800  }
0x4c: {  	_ =	swait.ge [sflag:s30], $0x800  }
0x4d: {  	[sflag:s30] =	ssyncset.done $0x0  }
0x4e: {  	[sflag:s30] =	ssyncadd.s32 $0xFFFFF800  }
0x4f: {  	_ =	swait.ge [sflag:s30], $0x800  }
0x50: {  	[sflag:s30] =	ssyncset.done $0x0  }
0x51: {  	[sflag:s30] =	ssyncadd.s32 $0xFFFFF800  }
0x52: {  	_ =	swait.ge [sflag:s30], $0x800  }
0x53: {  	[sflag:s30] =	ssyncset.done $0x0  }
0x54: {  	[sflag:s30] =	ssyncadd.s32 $0xFFFFF800  }
0x55: {  	_ =	swait.ge [sflag:s30], $0x800  }
0x56: {  	[sflag:s30] =	ssyncset.done $0x0  }
0x57: {  	[sflag:s30] =	ssyncadd.s32 $0xFFFFF800  }
0x58: {  	_ =	swait.ge [sflag:s30], $0x800  }
0x59: {  	[sflag:s30] =	ssyncset.done $0x0  }
0x5a: {  	[sflag:s30] =	ssyncadd.s32 $0xFFFFF800  }
0x5b: {  	_ =	swait.ge [sflag:s30], $0x800  }
0x5c: {  	[sflag:s30] =	ssyncset.done $0x0  }
0x5d: {  	[sflag:s30] =	ssyncadd.s32 $0xFFFFF800  }
0x5e: {  	_ =	swait.ge [sflag:s30], $0x800  }
0x5f: {  	[sflag:s30] =	ssyncset.done $0x0  }
0x60: {  	s5 =	rddreg [dreg:$0xb];
	[sflag:s30] =	ssyncadd.s32 $0xFFFFF800  }
0x61: {  	[hbm4b:s5+s3] =	stream.linear.scatter [tilespmem:s8], [sflag:$0x2], $0x7000, $0x38;
	[tilespmem:$0x7700] =	vst v63  }
0x62: {  	s1 =	simm.s32 $0xE0;
	s4 =	simm.s32 $0x1C0;
	_ =	swait.ge [sflag:s6], $0x7000  }
.LBB2_2:
0x63: {  	s0 =	rddreg [dreg:$0x4];
	[sflag:s6] =	ssyncset.done $0x0  }
0x64: {  	[sflag:s6] =	ssyncadd.s32 $0xFFFF9000;
	s0 =	sadd.s32 s1, s0  }
0x65: {  	[tilespmem:s3], [sflag:$0x2] =	stream.linear.gather [hbm4b:s0+s3], $0x700, $0x38;
	[tilespmem:$0x7700] =	vst v63  }
0x66: {  	_ =	swait.ge [sflag:s6], $0x700  }
0x67: {  	s31 =	smov.u32 s4;
	[sflag:s6] =	ssyncset.done $0x0;
	s0 =	rddreg [dreg:$0x6]  }
0x68: {  	s1 =	smov.u32 s31;
	s31 =	rddreg [dreg:$0x5];
	[sflag:s6] =	ssyncadd.s32 $0xFFFFF900  }
0x69: {  	[tilespmem:s8], [sflag:$0x1] =	stream.indirect.gather [hbm4b:s2+s7], $0x10, s3, s7, $0xb8;
	[tilespmem:$0x7700] =	vst v63  }
0x6a: {  	s9 =	rddreg [dreg:$0x7]  }
0x6b: {  	[tilespmem:s31], [sflag:$0x1] =	stream.indirect.gather [hbm4b:s2+s7], $0x10, s7, s7, $0xb8;
	[tilespmem:$0x7700] =	vst v63  }
0x6c: {  	s10 =	rddreg [dreg:$0x9]  }
0x6d: {  	[tilespmem:s9], [sflag:$0x1] =	stream.indirect.gather [hbm4b:s2+s7], $0x10, s0, s7, $0xb8;
	[tilespmem:$0x7700] =	vst v63  }
0x6e: {  	s31 =	rddreg [dreg:$0x8]  }
0x6f: {  	[tilespmem:s10], [sflag:$0x1] =	stream.indirect.gather [hbm4b:s2+s7], $0x10, s31, s7, $0xb8;
	[tilespmem:$0x7700] =	vst v63  }
0x70: {  	s10 =	simm.s32 $0x200;
	s31 =	simm.s32 $0x2700  }
0x71: {  	[tilespmem:s31], [sflag:$0x1] =	stream.indirect.gather [hbm4b:s2+s7], $0x10, s10, s7, $0xb8;
	[tilespmem:$0x7700] =	vst v63  }
0x72: {  	_ = 	snop  }
0x73: {  	[tilespmem:s12], [sflag:$0x1] =	stream.indirect.gather [hbm4b:s2+s7], $0x10, s11, s7, $0xb8;
	[tilespmem:$0x7700] =	vst v63  }
0x74: {  	_ = 	snop  }
0x75: {  	[tilespmem:s14], [sflag:$0x1] =	stream.indirect.gather [hbm4b:s2+s7], $0x10, s13, s7, $0xb8;
	[tilespmem:$0x7700] =	vst v63  }
0x76: {  	_ = 	snop  }
0x77: {  	[tilespmem:s16], [sflag:$0x1] =	stream.indirect.gather [hbm4b:s2+s7], $0x10, s15, s7, $0xb8;
	[tilespmem:$0x7700] =	vst v63  }
0x78: {  	_ = 	snop  }
0x79: {  	[tilespmem:s18], [sflag:$0x1] =	stream.indirect.gather [hbm4b:s2+s7], $0x10, s17, s7, $0xb8;
	[tilespmem:$0x7700] =	vst v63  }
0x7a: {  	_ = 	snop  }
0x7b: {  	[tilespmem:s20], [sflag:$0x1] =	stream.indirect.gather [hbm4b:s2+s7], $0x10, s19, s7, $0xb8;
	[tilespmem:$0x7700] =	vst v63  }
0x7c: {  	_ = 	snop  }
0x7d: {  	[tilespmem:s22], [sflag:$0x1] =	stream.indirect.gather [hbm4b:s2+s7], $0x10, s21, s7, $0xb8;
	[tilespmem:$0x7700] =	vst v63  }
0x7e: {  	_ = 	snop  }
0x7f: {  	[tilespmem:s24], [sflag:$0x1] =	stream.indirect.gather [hbm4b:s2+s7], $0x10, s23, s7, $0xb8;
	[tilespmem:$0x7700] =	vst v63  }
0x80: {  	_ = 	snop  }
0x81: {  	[tilespmem:s26], [sflag:$0x1] =	stream.indirect.gather [hbm4b:s2+s7], $0x10, s25, s7, $0xb8;
	[tilespmem:$0x7700] =	vst v63  }
0x82: {  	_ = 	snop  }
0x83: {  	[tilespmem:s29], [sflag:$0x1] =	stream.indirect.gather [hbm4b:s2+s7], $0x10, s28, s7, $0xb8;
	[tilespmem:$0x7700] =	vst v63  }
0x84: {  	_ =	swait.ge [sflag:s30], $0x800  }
0x85: {  	[sflag:s30] =	ssyncset.done $0x0  }
0x86: {  	[sflag:s30] =	ssyncadd.s32 $0xFFFFF800  }
0x87: {  	_ =	swait.ge [sflag:s30], $0x800  }
0x88: {  	[sflag:s30] =	ssyncset.done $0x0  }
0x89: {  	[sflag:s30] =	ssyncadd.s32 $0xFFFFF800  }
0x8a: {  	_ =	swait.ge [sflag:s30], $0x800  }
0x8b: {  	[sflag:s30] =	ssyncset.done $0x0  }
0x8c: {  	[sflag:s30] =	ssyncadd.s32 $0xFFFFF800  }
0x8d: {  	_ =	swait.ge [sflag:s30], $0x800  }
0x8e: {  	[sflag:s30] =	ssyncset.done $0x0  }
0x8f: {  	[sflag:s30] =	ssyncadd.s32 $0xFFFFF800  }
0x90: {  	_ =	swait.ge [sflag:s30], $0x800  }
0x91: {  	[sflag:s30] =	ssyncset.done $0x0  }
0x92: {  	[sflag:s30] =	ssyncadd.s32 $0xFFFFF800  }
0x93: {  	_ =	swait.ge [sflag:s30], $0x800  }
0x94: {  	[sflag:s30] =	ssyncset.done $0x0  }
0x95: {  	[sflag:s30] =	ssyncadd.s32 $0xFFFFF800  }
0x96: {  	_ =	swait.ge [sflag:s30], $0x800  }
0x97: {  	[sflag:s30] =	ssyncset.done $0x0  }
0x98: {  	[sflag:s30] =	ssyncadd.s32 $0xFFFFF800  }
0x99: {  	_ =	swait.ge [sflag:s30], $0x800  }
0x9a: {  	[sflag:s30] =	ssyncset.done $0x0  }
0x9b: {  	[sflag:s30] =	ssyncadd.s32 $0xFFFFF800  }
0x9c: {  	_ =	swait.ge [sflag:s30], $0x800  }
0x9d: {  	[sflag:s30] =	ssyncset.done $0x0  }
0x9e: {  	[sflag:s30] =	ssyncadd.s32 $0xFFFFF800  }
0x9f: {  	_ =	swait.ge [sflag:s30], $0x800  }
0xa0: {  	[sflag:s30] =	ssyncset.done $0x0  }
0xa1: {  	[sflag:s30] =	ssyncadd.s32 $0xFFFFF800  }
0xa2: {  	_ =	swait.ge [sflag:s30], $0x800  }
0xa3: {  	[sflag:s30] =	ssyncset.done $0x0  }
0xa4: {  	[sflag:s30] =	ssyncadd.s32 $0xFFFFF800  }
0xa5: {  	_ =	swait.ge [sflag:s30], $0x800  }
0xa6: {  	[sflag:s30] =	ssyncset.done $0x0  }
0xa7: {  	[sflag:s30] =	ssyncadd.s32 $0xFFFFF800  }
0xa8: {  	_ =	swait.ge [sflag:s30], $0x800  }
0xa9: {  	[sflag:s30] =	ssyncset.done $0x0  }
0xaa: {  	p0 =	sne.s32 s4, $0x540;
	[sflag:s30] =	ssyncadd.s32 $0xFFFFF800  }
.Ltmp0:
0xab: {  	_ =	swait.ge [sflag:s30], $0x800;
	(pc) =	sbr.rel @p0 .LBB2_2-.Ltmp0, $4  }
0xac: {  	[sflag:s30] =	ssyncset.done $0x0  }
0xad: {  	s5 =	sadd.s32 $0xE00, s5;
	[sflag:s30] =	ssyncadd.s32 $0xFFFFF800  }
0xae: {  	[hbm4b:s5+s3] =	stream.linear.scatter [tilespmem:s8], [sflag:$0x2], $0x7000, $0x38;
	[tilespmem:$0x7700] =	vst v63  }
0xaf: {  	s4 =	sadd.s32 $0xE0, s4;
	_ =	swait.ge [sflag:s6], $0x7000  }
0xb0: {  	s0 =	rddreg [dreg:$0x4];
	[sflag:s6] =	ssyncset.done $0x0  }
0xb1: {  	[sflag:s6] =	ssyncadd.s32 $0xFFFF9000;
	s0 =	sadd.s32 s1, s0  }
0xb2: {  	[tilespmem:s3], [sflag:$0x2] =	stream.linear.gather [hbm4b:s0+s3], $0x700, $0x38;
	[tilespmem:$0x7700] =	vst v63  }
0xb3: {  	_ =	swait.ge [sflag:s6], $0x700  }
0xb4: {  	s0 =	rddreg [dreg:$0x6];
	[sflag:s6] =	ssyncset.done $0x0  }
0xb5: {  	s10 =	rddreg [dreg:$0x5];
	[sflag:s6] =	ssyncadd.s32 $0xFFFFF900  }
0xb6: {  	[tilespmem:s8], [sflag:$0x1] =	stream.indirect.gather [hbm4b:s2+s7], $0x10, s3, s7, $0xb8;
	[tilespmem:$0x7700] =	vst v63  }
0xb7: {  	s4 =	rddreg [dreg:$0x7]  }
0xb8: {  	[tilespmem:s10], [sflag:$0x1] =	stream.indirect.gather [hbm4b:s2+s7], $0x10, s7, s7, $0xb8;
	[tilespmem:$0x7700] =	vst v63  }
0xb9: {  	s9 =	rddreg [dreg:$0x9]  }
0xba: {  	[tilespmem:s4], [sflag:$0x1] =	stream.indirect.gather [hbm4b:s2+s7], $0x10, s0, s7, $0xb8;
	[tilespmem:$0x7700] =	vst v63  }
0xbb: {  	s31 =	rddreg [dreg:$0x8]  }
0xbc: {  	[tilespmem:s9], [sflag:$0x1] =	stream.indirect.gather [hbm4b:s2+s7], $0x10, s31, s7, $0xb8;
	[tilespmem:$0x7700] =	vst v63  }
0xbd: {  	s1 =	simm.s32 $0x200;
	s4 =	simm.s32 $0x2700  }
0xbe: {  	[tilespmem:s4], [sflag:$0x1] =	stream.indirect.gather [hbm4b:s2+s7], $0x10, s1, s7, $0xb8;
	[tilespmem:$0x7700] =	vst v63  }
0xbf: {  	_ = 	snop  }
0xc0: {  	[tilespmem:s12], [sflag:$0x1] =	stream.indirect.gather [hbm4b:s2+s7], $0x10, s11, s7, $0xb8;
	[tilespmem:$0x7700] =	vst v63  }
0xc1: {  	_ = 	snop  }
0xc2: {  	[tilespmem:s14], [sflag:$0x1] =	stream.indirect.gather [hbm4b:s2+s7], $0x10, s13, s7, $0xb8;
	[tilespmem:$0x7700] =	vst v63  }
0xc3: {  	_ = 	snop  }
0xc4: {  	[tilespmem:s16], [sflag:$0x1] =	stream.indirect.gather [hbm4b:s2+s7], $0x10, s15, s7, $0xb8;
	[tilespmem:$0x7700] =	vst v63  }
0xc5: {  	_ = 	snop  }
0xc6: {  	[tilespmem:s18], [sflag:$0x1] =	stream.indirect.gather [hbm4b:s2+s7], $0x10, s17, s7, $0xb8;
	[tilespmem:$0x7700] =	vst v63  }
0xc7: {  	_ = 	snop  }
0xc8: {  	[tilespmem:s20], [sflag:$0x1] =	stream.indirect.gather [hbm4b:s2+s7], $0x10, s19, s7, $0xb8;
	[tilespmem:$0x7700] =	vst v63  }
0xc9: {  	_ = 	snop  }
0xca: {  	[tilespmem:s22], [sflag:$0x1] =	stream.indirect.gather [hbm4b:s2+s7], $0x10, s21, s7, $0xb8;
	[tilespmem:$0x7700] =	vst v63  }
0xcb: {  	_ = 	snop  }
0xcc: {  	[tilespmem:s24], [sflag:$0x1] =	stream.indirect.gather [hbm4b:s2+s7], $0x10, s23, s7, $0xb8;
	[tilespmem:$0x7700] =	vst v63  }
0xcd: {  	_ = 	snop  }
0xce: {  	[tilespmem:s26], [sflag:$0x1] =	stream.indirect.gather [hbm4b:s2+s7], $0x10, s25, s7, $0xb8;
	[tilespmem:$0x7700] =	vst v63  }
0xcf: {  	_ = 	snop  }
0xd0: {  	[tilespmem:s29], [sflag:$0x1] =	stream.indirect.gather [hbm4b:s2+s7], $0x10, s28, s7, $0xb8;
	[tilespmem:$0x7700] =	vst v63  }
0xd1: {  	_ =	swait.ge [sflag:s30], $0x800  }
0xd2: {  	[sflag:s30] =	ssyncset.done $0x0  }
0xd3: {  	[sflag:s30] =	ssyncadd.s32 $0xFFFFF800  }
0xd4: {  	_ =	swait.ge [sflag:s30], $0x800  }
0xd5: {  	[sflag:s30] =	ssyncset.done $0x0  }
0xd6: {  	[sflag:s30] =	ssyncadd.s32 $0xFFFFF800  }
0xd7: {  	_ =	swait.ge [sflag:s30], $0x800  }
0xd8: {  	[sflag:s30] =	ssyncset.done $0x0  }
0xd9: {  	[sflag:s30] =	ssyncadd.s32 $0xFFFFF800  }
0xda: {  	_ =	swait.ge [sflag:s30], $0x800  }
0xdb: {  	[sflag:s30] =	ssyncset.done $0x0  }
0xdc: {  	[sflag:s30] =	ssyncadd.s32 $0xFFFFF800  }
0xdd: {  	_ =	swait.ge [sflag:s30], $0x800  }
0xde: {  	[sflag:s30] =	ssyncset.done $0x0  }
0xdf: {  	[sflag:s30] =	ssyncadd.s32 $0xFFFFF800  }
0xe0: {  	_ =	swait.ge [sflag:s30], $0x800  }
0xe1: {  	[sflag:s30] =	ssyncset.done $0x0  }
0xe2: {  	[sflag:s30] =	ssyncadd.s32 $0xFFFFF800  }
0xe3: {  	_ =	swait.ge [sflag:s30], $0x800  }
0xe4: {  	[sflag:s30] =	ssyncset.done $0x0  }
0xe5: {  	[sflag:s30] =	ssyncadd.s32 $0xFFFFF800  }
0xe6: {  	_ =	swait.ge [sflag:s30], $0x800  }
0xe7: {  	[sflag:s30] =	ssyncset.done $0x0  }
0xe8: {  	[sflag:s30] =	ssyncadd.s32 $0xFFFFF800  }
0xe9: {  	_ =	swait.ge [sflag:s30], $0x800  }
0xea: {  	[sflag:s30] =	ssyncset.done $0x0  }
0xeb: {  	[sflag:s30] =	ssyncadd.s32 $0xFFFFF800  }
0xec: {  	_ =	swait.ge [sflag:s30], $0x800  }
0xed: {  	[sflag:s30] =	ssyncset.done $0x0  }
0xee: {  	[sflag:s30] =	ssyncadd.s32 $0xFFFFF800  }
0xef: {  	_ =	swait.ge [sflag:s30], $0x800  }
0xf0: {  	[sflag:s30] =	ssyncset.done $0x0  }
0xf1: {  	[sflag:s30] =	ssyncadd.s32 $0xFFFFF800  }
0xf2: {  	_ =	swait.ge [sflag:s30], $0x800  }
0xf3: {  	[sflag:s30] =	ssyncset.done $0x0  }
0xf4: {  	[sflag:s30] =	ssyncadd.s32 $0xFFFFF800  }
0xf5: {  	_ =	swait.ge [sflag:s30], $0x800  }
0xf6: {  	[sflag:s30] =	ssyncset.done $0x0  }
0xf7: {  	[sflag:s30] =	ssyncadd.s32 $0xFFFFF800  }
0xf8: {  	_ =	swait.ge [sflag:s30], $0x800  }
0xf9: {  	[sflag:s30] =	ssyncset.done $0x0  }
0xfa: {  	s9 =	sadd.s32 $0xE00, s5;
	[sflag:s30] =	ssyncadd.s32 $0xFFFFF800  }
0xfb: {  	[hbm4b:s9+s3] =	stream.linear.scatter [tilespmem:s8], [sflag:$0x2], $0x7000, $0x38;
	[tilespmem:$0x7700] =	vst v63  }
0xfc: {  	_ =	swait.ge [sflag:s6], $0x7000  }
0xfd: {  	s10 =	rddreg [dreg:$0xc]  }
0xfe: {  	s31 =	rddreg [dreg:$0xa];
	s1 =	sadd.s32 $0x1, s10  }
0xff: {  	p0 =	sne.s32 s1, s31  }
.Ltmp1:
0x100: {  	_ = 	snop;
	(pc) =	sbr.rel @p0 .LBB2_1-.Ltmp1, $3  }
0x101: {  	_ =	sdelay $0x1  }
0x102: {  	[sflag:s6] =	ssyncset.done $0x0  }
0x103: {  	[sflag:s6] =	ssyncadd.s32 $0xFFFF9000  }
0x104: {  	_ =	sfence.sel $0x180000  }
0x105: {  	[bflag:$0x0] =	sbarrier.arrive $0xFFFF  }
0x106: {  	_ =	strace $0x90000047  }
0x107: {  	s0 =	stileid.u32;
	[bflag:$0x2] =	sbarrier.arrive $0xFFFF  }
0x108: {  	p0 =	sne.s32 s0, $0x0;
	s0 =	rddreg [dreg:$0x3]  }
0x109: {  	s0 =	sadd.s32 @!p0 $0x100000, s0  }
0x10a: {  	[sflag:s0] =	ssyncadd.tile.s32 @!p0 $0x1;
	_ =	shalt  }
.Lfunc_end2:
_tile_overlayer_lowered:
.L_overlay_start_2:
0x10b: {  	(tag) =	ssettag $0x2  }
0x10c: {  	s0 =	rddreg [dreg:$0x0];
	s2 =	stileid.u32  }
0x10d: {  	s1 =	rddreg [dreg:$0x1];
	p0 =	sne.s32 s2, $0x0  }
0x10e: {  	s3 =	rddreg [dreg:$0x2];
	[bflag:$0x3] =	sbarrier.arrive $0xFFFF;
	s2 =	simm.s32 @!p0 $0x1C02  }
0x10f: {  	[timem:s3], [sflag:s2] =	dma.local @!p0 [hbm:s0], s1  }
0x110: {  	s0 =	simm.s32 @!p0 $0x2  }
0x111: {  	_ =	swait.ge @!p0 [sflag:s0], s1  }
0x112: {  	s1 =	ssub.s32 @!p0 $0x0, s1;
	[sflag:s0] =	ssyncset.done @!p0 $0x0  }
0x113: {  	[sflag:s0] =	ssyncadd.s32 @!p0 s1  }
0x114: {  	[bflag:$0x3] =	sbarrier.arrive $0xFFFF  }
0x115: {  	_ =	shalt  }

// kernel: kernel.9.cloned.1.call-start
scs
__scs_entry_jumppad:
0x0: {  	(pc) =	sbr.rel $0x88, $3  }
0x1: {  	(tag) =	ssettag $0x0;
	lr =	simm.s32 $0x1  }
0x2: {  	[smem:$0x3F8F] =	sst lr;
	_ =	strace $0xD0000000  }
0x3: {  	_ = 	snop  }
0x4: {  	_ = 	snop  }
0x5: {  	_ = 	snop  }
0x6: {  	_ = 	snop  }
0x7: {  	_ = 	snop  }
__scs_overlays_trampoline_lowered:
0x8: {  	[smem:$0x3F9E] =	sst s0  }
0x9: {  	[smem:$0x3F9F] =	sst s1  }
0xa: {  	[smem:$0x3FA0] =	sst s2  }
0xb: {  	[smem:$0x3FA1] =	sst s3  }
0xc: {  	[smem:$0x3FA2] =	sst s4  }
0xd: {  	[smem:$0x3FA3] =	sst s5  }
0xe: {  	[smem:$0x3FA4] =	sst s6  }
0xf: {  	[smem:$0x3FA5] =	sst s7  }
0x10: {  	[smem:$0x3FA6] =	sst s8  }
0x11: {  	[smem:$0x3FA7] =	sst s9;
	s0 =	simm.s32 @!p0 $0x0  }
0x12: {  	s1 =	sld [smem:$0x3F8D];
	s0 =	simm.s32 @p0 $0x1  }
0x13: {  	[smem:$0x3FA8] =	sst s0;
	s0 =	simm.s32 @!p1 $0x0  }
0x14: {  	s2 =	sld [smem:$0x3F8C];
	s0 =	simm.s32 @p1 $0x1  }
0x15: {  	[smem:$0x3FA9] =	sst s0;
	s0 =	simm.s32 @!p2 $0x0  }
0x16: {  	s3 =	sld [smem:$0x3FDB];
	s0 =	simm.s32 @p2 $0x1  }
0x17: {  	s4 =	simm.s32 $0x1BF5;
	[smem:$0x3FAB] =	sst s0  }
0x18: {  	s0 =	sld [smem:$0x3F8E];
	_ =	swait.ge [sflag:s4], $0x0  }
0x19: {  	s7 =	sld [smem:$0x3F8F]  }
0x1a: {  	s8 =	sadd.s32 $0xFFFFE003, lr  }
0x1b: {  	s9 =	sadd.s32 $0xFFFFFEF7, lr;
	s5 =	simm.s32 $0xFFFFFFFF;
	p2 =	slt.u32 s8, $0xFFFFF086  }
0x1c: {  	p1 =	slt.u32 s9, $0xF7A;
	s5 =	simm.s32 @!p2 $0x0  }
0x1d: {  	s5 =	simm.s32 @p1 $0x1;
	p0 =	seq.s32 s7, s2  }
0x1e: {  	s7 =	smul.u32 @!p0 $0xF7A, s2;
	p2 =	seq.s32 @!p0 s5, $0x0  }
0x1f: {  	s9 =	smul.u32 $0xF7A, s1;
	s8 =	simm.s32 @!p0 $0x1BF5;
	p2 =	por !p2, p0  }
0x20: {  	[sflag:s8] =	ssyncset.s32 @!p0 $0xFFFFF086;
	s6 =	sadd.s32 @!p0 s3, s7;
	s7 =	simm.s32 @!p0 $0x108  }
0x21: {  	s3 =	sadd.s32 s3, s9;
	s6 =	sadd.s32 @!p0 $0x88, s6;
	s7 =	simm.s32 @p2 $0x1082  }
0x22: {  	[simem:s7], [sflag:s8] =	dma.local @!p0 [hbm:s6], $0xF7A  }
0x23: {  	s9 =	sor.u32 $0xD0000000, s2;
	s6 =	simm.s32 $0x108;
	_ =	swait.ge @!p0 [sflag:s8], $0x0  }
0x24: {  	s3 =	sadd.s32 $0x88, s3;
	s6 =	simm.s32 @!p1 $0x1082;
	[sflag:s4] =	ssyncset.s32 $0xFFFFF086  }
0x25: {  	[simem:s6], [sflag:s4] =	dma.local [hbm:s3], $0xF7A  }
0x26: {  	[smem:$0x3F8F] =	sst s1;
	(tag) =	ssettag s2;
	_ =	strace s9  }
0x27: {  	s1 =	sld [smem:$0x3F9F]  }
0x28: {  	s2 =	sld [smem:$0x3FA0]  }
0x29: {  	s4 =	sld [smem:$0x3FA2]  }
0x2a: {  	p0 =	seq.s32 s5, $0x0;
	s5 =	sld [smem:$0x3FA3]  }
0x2b: {  	s6 =	sld [smem:$0x3FA4]  }
0x2c: {  	s7 =	sld [smem:$0x3FA5]  }
0x2d: {  	s3 =	simm.s32 $0x108;
	s8 =	sld [smem:$0x3FA6]  }
0x2e: {  	s3 =	simm.s32 @!p0 $0x1082;
	s9 =	sld [smem:$0x3FA7]  }
0x2f: {  	lr =	sadd.s32 s0, s3;
	s0 =	sld [smem:$0x3F9E]  }
0x30: {  	s3 =	sld [smem:$0x3FA1]  }
0x31: {  	[smem:$0x3FAA] =	sst s10  }
0x32: {  	s10 =	sld [smem:$0x3FA8];
	_ =	sdelay $0x3  }
0x33: {  	p0 =	seq.s32 s10, $0x1;
	s10 =	sld [smem:$0x3FAA];
	_ =	sdelay $0x3  }
0x34: {  	[smem:$0x3FAA] =	sst s10  }
0x35: {  	s10 =	sld [smem:$0x3FA9];
	_ =	sdelay $0x3  }
0x36: {  	p1 =	seq.s32 s10, $0x1;
	s10 =	sld [smem:$0x3FAA];
	_ =	sdelay $0x3  }
0x37: {  	[smem:$0x3FAA] =	sst s10  }
0x38: {  	s10 =	sld [smem:$0x3FAB]  }
0x39: {  	_ = 	snop;
	(pc) =	sbr.ind lr, $3  }
0x3a: {  	_ = 	snop  }
0x3b: {  	_ = 	snop  }
0x3c: {  	p2 =	seq.s32 s10, $0x1;
	s10 =	sld [smem:$0x3FAA]  }
0x3d: {  	_ =	shalt  }
0x3e: {  	_ =	shalt  }
0x3f: {  	_ =	shalt  }
0x40: {  	_ =	shalt  }
0x41: {  	_ =	shalt  }
0x42: {  	_ =	shalt  }
0x43: {  	_ =	shalt  }
0x44: {  	_ =	shalt  }
0x45: {  	_ =	shalt  }
0x46: {  	_ =	shalt  }
0x47: {  	_ =	shalt  }
0x48: {  	_ =	shalt  }
0x49: {  	_ =	shalt  }
0x4a: {  	_ =	shalt  }
0x4b: {  	_ =	shalt  }
0x4c: {  	_ =	shalt  }
0x4d: {  	_ =	shalt  }
0x4e: {  	_ =	shalt  }
0x4f: {  	_ =	shalt  }
0x50: {  	_ =	shalt  }
0x51: {  	_ =	shalt  }
0x52: {  	_ =	shalt  }
0x53: {  	_ =	shalt  }
0x54: {  	_ =	shalt  }
0x55: {  	_ =	shalt  }
0x56: {  	_ =	shalt  }
0x57: {  	_ =	shalt  }
0x58: {  	_ =	shalt  }
0x59: {  	_ =	shalt  }
0x5a: {  	_ =	shalt  }
0x5b: {  	_ =	shalt  }
0x5c: {  	_ =	shalt  }
0x5d: {  	_ =	shalt  }
0x5e: {  	_ =	shalt  }
0x5f: {  	_ =	shalt  }
0x60: {  	_ =	shalt  }
0x61: {  	_ =	shalt  }
0x62: {  	_ =	shalt  }
0x63: {  	_ =	shalt  }
0x64: {  	_ =	shalt  }
0x65: {  	_ =	shalt  }
0x66: {  	_ =	shalt  }
0x67: {  	_ =	shalt  }
0x68: {  	_ =	shalt  }
0x69: {  	_ =	shalt  }
0x6a: {  	_ =	shalt  }
0x6b: {  	_ =	shalt  }
0x6c: {  	_ =	shalt  }
0x6d: {  	_ =	shalt  }
0x6e: {  	_ =	shalt  }
0x6f: {  	_ =	shalt  }
0x70: {  	_ =	shalt  }
0x71: {  	_ =	shalt  }
0x72: {  	_ =	shalt  }
0x73: {  	_ =	shalt  }
0x74: {  	_ =	shalt  }
0x75: {  	_ =	shalt  }
0x76: {  	_ =	shalt  }
0x77: {  	_ =	shalt  }
0x78: {  	_ =	shalt  }
0x79: {  	_ =	shalt  }
0x7a: {  	_ =	shalt  }
0x7b: {  	_ =	shalt  }
0x7c: {  	_ =	shalt  }
0x7d: {  	_ =	shalt  }
0x7e: {  	_ =	shalt  }
0x7f: {  	_ =	shalt  }
0x80: {  	_ =	shalt  }
0x81: {  	_ =	shalt  }
0x82: {  	_ =	shalt  }
0x83: {  	_ =	shalt  }
0x84: {  	_ =	shalt  }
0x85: {  	_ =	shalt  }
0x86: {  	_ =	shalt  }
0x87: {  	_ =	shalt  }
.Lfunc_end0:
.L_simem_size_0:
called_computation.2_lowered:
.L_overlay_start_0:
0x88: {  	s2 =	sld [smem:$0x3FD9]  }
0x89: {  	s3 =	sld [smem:$0x3FFE];
	_ =	sdelay $0x1  }
0x8a: {  	s1 =	srdreg.scid  }
0x8b: {  	s0 =	sand.u32 $0x1, s1  }
0x8c: {  	s14 =	sshll.u32 s0, $0xA;
	s2 =	sadd.s32 s3, s2  }
0x8d: {  	s2 =	sadd.s32 s2, s14  }
0x8e: {  	[smem:$0x3FB6] =	sst s2  }
0x8f: {  	_ = 	snop  }
0x90: {  	s2 =	sld [smem:$0x3FD0];
	_ =	sdelay $0x2  }
0x91: {  	s15 =	simm.s32 $0xA;
	s4 =	simm.s32 $0x10  }
0x92: {  	[smem:s4], [sflag:s15] =	dma.local [hbm:s2], $0x1  }
0x93: {  	_ =	swait.eq [sflag:s15], $0x1  }
0x94: {  	[sflag:s15] =	ssyncset.done $0x0  }
0x95: {  	s16 =	sld [smem:$0x10];
	[sflag:s15] =	ssyncadd.s32 $0xFFFFFFFF  }
0x96: {  	s17 =	sld [smem:$0x11];
	(tm) =	ssettm $0x1  }
0x97: {  	s18 =	sld [smem:$0x3FFB];
	_ =	sdelay $0x3  }
0x98: {  	_ =	strace s18  }
0x99: {  	s4 =	sld [smem:$0x3FFC];
	_ =	sdelay $0x3  }
0x9a: {  	_ =	strace s4  }
0x9b: {  	s4 =	sld [smem:$0x3FFD];
	_ =	sdelay $0x3  }
0x9c: {  	_ =	strace s4  }
0x9d: {  	_ =	strace $0x8FFFFFFF  }
0x9e: {  	s19 =	sld [smem:$0x3FDB];
	_ =	sdelay $0x1  }
0x9f: {  	s5 =	simm.s32 $_scs_section_size  }
0xa0: {  	s6 =	simm.s32 $_size__tile_overlayer_lowered;
	s7 =	simm.s32 $_tile_overlayer_lowered  }
0xa1: {  	s22 =	simm.s32 $0x1BFF;
	s21 =	sshll.u32 s7, $0x1;
	s4 =	sadd.s32 s5, s19  }
0xa2: {  	s8 =	simm.s32 $0x0;
	s20 =	sshll.u32 s6, $0x1;
	s6 =	sadd.s32 s21, s4  }
0xa3: {  	[timem:s8], [sflag:s22] =	dma.local [hbm:s6], s20  }
0xa4: {  	_ =	swait.ge [sflag:s22], s20  }
0xa5: {  	s5 =	ssub.s32 $0x0, s20;
	[sflag:s22] =	ssyncset.done $0x0  }
0xa6: {  	[sflag:s22] =	ssyncadd.s32 s5;
	_ =	sdelay $0x1  }
0xa7: {  	s23 =	simm.s32 $0x1B8B  }
0xa8: {  	_ =	swait.ge [sflag:s23], $0x1  }
0xa9: {  	[sflag:s23] =	ssyncset.done $0x0  }
0xaa: {  	s25 =	simm.s32 $0x1B8E;
	s24 =	sld [smem:$0x3FFE];
	[sflag:s23] =	ssyncadd.s32 $0xFFFFFFFF  }
0xab: {  	s26 =	simm.s32 $execute0_lowered;
	[smem:$0x3FD2] =	sst s25  }
0xac: {  	s6 =	sshll.u32 s26, $0x1;
	_ =	strace $0x8000004C;
	[dreg:$0x1] =	wrdreg $0xFFFFFFFF  }
0xad: {  	s28 =	simm.s32 $_size_execute0_lowered;
	s4 =	sadd.s32 s4, s6;
	[dreg:$0x0] =	wrdreg $0x0  }
0xae: {  	s6 =	sshll.u32 s28, $0x1;
	[dreg:$0x2] =	wrdreg s4  }
0xaf: {  	[dreg:$0x3] =	wrdreg s6  }
0xb0: {  	[dreg:$0x4] =	wrdreg $0xC0  }
0xb1: {  	_ =	task [dreg:s8], $0x5FFFF  }
0xb2: {  	[dreg:$0x1] =	wrdreg $0xFFFFFFFF  }
0xb3: {  	[dreg:$0x0] =	wrdreg $0x60  }
0xb4: {  	[dreg:$0x2] =	wrdreg s24  }
0xb5: {  	[dreg:$0x3] =	wrdreg s16  }
0xb6: {  	[dreg:$0x4] =	wrdreg s17  }
0xb7: {  	[dreg:$0x5] =	wrdreg $0x0  }
0xb8: {  	[dreg:$0x6] =	wrdreg $0x9  }
0xb9: {  	_ =	task.clear_ibuf [dreg:s8], $0x7FFFF;
	_ =	strace $0x9000004C  }
0xba: {  	s29 =	simm.s32 $0x9;
	_ =	strace $0x8000004E  }
0xbb: {  	_ =	swait.ge [sflag:s29], $0x1  }
0xbc: {  	[sflag:s29] =	ssyncadd.s32 $0xFFFFFFFF  }
0xbd: {  	_ =	strace $0x9000004E  }
0xbe: {  	_ =	sfence  }
0xbf: {  	s30 =	sld [smem:$0x0];
	_ =	sdelay $0x2  }
0xc0: {  	s31 =	sshll.u32 s1, $0xD;
	s1 =	sshrl.u32 s1, $0x2  }
0xc1: {  	s3 =	sand.u32 $0x4000, s31;
	s1 =	sadd.s32 s1, s30  }
0xc2: {  	s0 =	sor.u32 s3, s0;
	s1 =	sshll.u32 s1, $0x11  }
0xc3: {  	s0 =	sor.u32 s1, s0  }
0xc4: {  	s0 =	sadd.s32 $0x8F2B, s0  }
0xc5: {  	[sflag:s0] =	ssyncadd.remote.s32 $0x1  }
0xc6: {  	_ =	sfence.sel $0xFFFF  }
0xc7: {  	[dreg:$0x0] =	wrdreg $0xFFFFFFFF;
	(pc) =	sbr.abs _section_cstart, $3  }
0xc8: {  	[dreg:$0x1] =	wrdreg $0xFFFFFFFF  }
0xc9: {  	_ =	task.clear_ibuf [dreg:s8], $0x2FFFF;
	_ =	strace $0x9FFFFFFF  }
0xca: {  	(tm) =	ssettm $0x7FFFFFFF  }
0xcb: {  	_ =	shalt  }
tec
execute0_lowered:
.L_overlay_start_1:
0x0: {  	(tag) =	ssettag $0x1  }
0x1: {  	s0 =	rddreg [dreg:$0x0]  }
0x2: {  	s1 =	rddreg [dreg:$0x1]  }
0x3: {  	s4 =	rddreg [dreg:$0x2]  }
0x4: {  	s2 =	rddreg [dreg:$0x3]  }
0x5: {  	s12 =	stileid.u32;
	s5 =	srdreg.scid  }
0x6: {  	s3 =	simm.s32 $0x0;
	s13 =	simm.s32 $0x18A30;
	s14 =	simm.s32 $0x80  }
0x7: {  	s15 =	simm.s32 $0x18730;
	s16 =	simm.s32 $0x19A30;
	s17 =	simm.s32 $0x187B0  }
0x8: {  	s18 =	simm.s32 $0x1AA30;
	s19 =	simm.s32 $0x18830;
	s23 =	smul.u32 $0x30D4, s12  }
0x9: {  	s20 =	simm.s32 $0x1BA30;
	s21 =	simm.s32 $0x188B0;
	s8 =	smul.u32 $0x18800, s12  }
0xa: {  	s22 =	simm.s32 $0x1CA30;
	s28 =	simm.s32 $0x1;
	s10 =	smul.u32 $0x186A0, s12  }
0xb: {  	s7 =	sand.u32 $0x1, s5;
	s30 =	sshll.u32 s12, $0x6;
	s12 =	smul.u32 $0xC40, s12  }
0xc: {  	s29 =	simm.s32 $0x0;
	[smem:$0x7FF] =	sst s3;
	s6 =	smul.u32 $0x30D40, s7  }
0xd: {  	_ =	strace $0x8000004D;
	s9 =	ssub.s32 $0x2, s7;
	s26 =	smul.u32 $0xC400, s7  }
0xe: {  	s31 =	smul.u32 $0x620, s7;
	s24 =	sshrl.u32 s9, $0x1;
	s8 =	sadd.s32 s8, s0  }
0xf: {  	s11 =	sadd.s32 s10, s2;
	s25 =	sshrl.u32 s10, $0x3;
	s1 =	sadd.s32 s12, s1  }
0x10: {  	s12 =	simm.s32 $0x186B0;
	s5 =	sadd.s32 s23, s6;
	s9 =	ssub.s32 s9, s24  }
0x11: {  	s4 =	sadd.s32 s4, s25;
	s8 =	sadd.s32 s26, s8;
	s10 =	sshrl.u32 s11, $0x3  }
0x12: {  	s11 =	simm.s32 $0x2;
	s23 =	simm.s32 $0x18930;
	s24 =	simm.s32 $0x1DA30  }
0x13: {  	s25 =	simm.s32 $0x189B0;
	s26 =	simm.s32 $0x1EA30;
	s0 =	sadd.s32 s5, s0  }
0x14: {  	[dreg:$0x5] =	wrdreg s4;
	s5 =	sor.u32 $0x1C02, s30;
	s7 =	smax.u32 s9, $0x1  }
0x15: {  	s8 =	sadd.s32 $0x320600, s8;
	s9 =	sadd.s32 s31, s1;
	s6 =	sadd.s32 $0xC8200, s0  }
.LBB2_1:
0x16: {  	s0 =	rddreg [dreg:$0x5]  }
0x17: {  	[spmem:s10], [sflag:s5] =	dma.local [hbm:s0], $0x30D4  }
0x18: {  	_ =	swait.ge [sflag:s11], $0x30D4  }
0x19: {  	[sflag:s11] =	ssyncset.done $0x0  }
0x1a: {  	[sflag:s11] =	ssyncadd.s32 $0xFFFFCF2C  }
0x1b: {  	s4 =	sadd.s32 $0x0, s9;
	[bflag:$0x0] =	sbarrier.arrive $0xFFFF  }
0x1c: {  	[tilespmem:s12], [sflag:$0x2] =	stream.linear.gather [hbm4b:s4+s3], $0x380, $0x38;
	[tilespmem:$0x1FA30] =	vst v63  }
0x1d: {  	_ =	swait.ge [sflag:s11], $0x380  }
0x1e: {  	[sflag:s11] =	ssyncset.done $0x0  }
0x1f: {  	[sflag:s11] =	ssyncadd.s32 $0xFFFFFC80  }
0x20: {  	[tilespmem:s13], [sflag:$0x2] =	stream.linear.gather [hbm4b:s8+s3], $0x7000, $0x38;
	[tilespmem:$0x1FA30] =	vst v63  }
0x21: {  	_ =	swait.ge [sflag:s11], $0x7000  }
0x22: {  	[sflag:s11] =	ssyncset.done $0x0  }
0x23: {  	[sflag:s11] =	ssyncadd.s32 $0xFFFF9000  }
0x24: {  	[spmem:s2] =	stream.indirect.scatter.add.f32 [tilespmem:s13], [sflag:$0x1], $0x20, s12, s14, $0xb8;
	[tilespmem:$0x1FA30] =	vst v63  }
0x25: {  	_ = 	snop  }
0x26: {  	[spmem:s2] =	stream.indirect.scatter.add.f32 [tilespmem:s16], [sflag:$0x1], $0x20, s15, s14, $0xb8;
	[tilespmem:$0x1FA30] =	vst v63  }
0x27: {  	_ = 	snop  }
0x28: {  	[spmem:s2] =	stream.indirect.scatter.add.f32 [tilespmem:s18], [sflag:$0x1], $0x20, s17, s14, $0xb8;
	[tilespmem:$0x1FA30] =	vst v63  }
0x29: {  	_ = 	snop  }
0x2a: {  	[spmem:s2] =	stream.indirect.scatter.add.f32 [tilespmem:s20], [sflag:$0x1], $0x20, s19, s14, $0xb8;
	[tilespmem:$0x1FA30] =	vst v63  }
0x2b: {  	_ = 	snop  }
0x2c: {  	[spmem:s2] =	stream.indirect.scatter.add.f32 [tilespmem:s22], [sflag:$0x1], $0x20, s21, s14, $0xb8;
	[tilespmem:$0x1FA30] =	vst v63  }
0x2d: {  	_ = 	snop  }
0x2e: {  	[spmem:s2] =	stream.indirect.scatter.add.f32 [tilespmem:s24], [sflag:$0x1], $0x20, s23, s14, $0xb8;
	[tilespmem:$0x1FA30] =	vst v63  }
0x2f: {  	_ = 	snop  }
0x30: {  	[spmem:s2] =	stream.indirect.scatter.add.f32 [tilespmem:s26], [sflag:$0x1], $0x20, s25, s14, $0xb8;
	[tilespmem:$0x1FA30] =	vst v63  }
0x31: {  	_ =	swait.ge [sflag:s28], $0x1000  }
0x32: {  	[sflag:s28] =	ssyncset.done $0x0  }
0x33: {  	[sflag:s28] =	ssyncadd.s32 $0xFFFFF000  }
0x34: {  	_ =	swait.ge [sflag:s28], $0x1000  }
0x35: {  	[sflag:s28] =	ssyncset.done $0x0  }
0x36: {  	[sflag:s28] =	ssyncadd.s32 $0xFFFFF000  }
0x37: {  	_ =	swait.ge [sflag:s28], $0x1000  }
0x38: {  	[sflag:s28] =	ssyncset.done $0x0  }
0x39: {  	[sflag:s28] =	ssyncadd.s32 $0xFFFFF000  }
0x3a: {  	_ =	swait.ge [sflag:s28], $0x1000  }
0x3b: {  	[sflag:s28] =	ssyncset.done $0x0  }
0x3c: {  	[sflag:s28] =	ssyncadd.s32 $0xFFFFF000  }
0x3d: {  	_ =	swait.ge [sflag:s28], $0x1000  }
0x3e: {  	[sflag:s28] =	ssyncset.done $0x0  }
0x3f: {  	[sflag:s28] =	ssyncadd.s32 $0xFFFFF000  }
0x40: {  	_ =	swait.ge [sflag:s28], $0x1000  }
0x41: {  	[sflag:s28] =	ssyncset.done $0x0  }
0x42: {  	[sflag:s28] =	ssyncadd.s32 $0xFFFFF000  }
0x43: {  	s31 =	simm.s32 $0x70;
	_ =	swait.ge [sflag:s28], $0x1000  }
0x44: {  	s30 =	sadd.s32 $0xE00, s8;
	s0 =	simm.s32 $0xE0;
	[sflag:s28] =	ssyncset.done $0x0  }
.LBB2_2:
0x45: {  	s4 =	sadd.s32 s31, s9  }
0x46: {  	[sflag:s28] =	ssyncadd.s32 $0xFFFFF000;
	s31 =	smov.u32 s0;
	s1 =	sadd.s32 $0x70, s0  }
0x47: {  	[tilespmem:s12], [sflag:$0x2] =	stream.linear.gather [hbm4b:s4+s3], $0x380, $0x38;
	[tilespmem:$0x1FA30] =	vst v63  }
0x48: {  	p0 =	sne.s32 s0, $0x5B0;
	_ =	swait.ge [sflag:s11], $0x380  }
0x49: {  	[sflag:s11] =	ssyncset.done $0x0  }
0x4a: {  	[sflag:s11] =	ssyncadd.s32 $0xFFFFFC80  }
0x4b: {  	[tilespmem:s13], [sflag:$0x2] =	stream.linear.gather [hbm4b:s30+s3], $0x7000, $0x38;
	[tilespmem:$0x1FA30] =	vst v63  }
0x4c: {  	_ =	swait.ge [sflag:s11], $0x7000  }
0x4d: {  	[sflag:s11] =	ssyncset.done $0x0  }
0x4e: {  	[sflag:s11] =	ssyncadd.s32 $0xFFFF9000  }
0x4f: {  	[spmem:s2] =	stream.indirect.scatter.add.f32 [tilespmem:s13], [sflag:$0x1], $0x20, s12, s14, $0xb8;
	[tilespmem:$0x1FA30] =	vst v63  }
0x50: {  	_ = 	snop  }
0x51: {  	[spmem:s2] =	stream.indirect.scatter.add.f32 [tilespmem:s16], [sflag:$0x1], $0x20, s15, s14, $0xb8;
	[tilespmem:$0x1FA30] =	vst v63  }
0x52: {  	_ = 	snop  }
0x53: {  	[spmem:s2] =	stream.indirect.scatter.add.f32 [tilespmem:s18], [sflag:$0x1], $0x20, s17, s14, $0xb8;
	[tilespmem:$0x1FA30] =	vst v63  }
0x54: {  	_ = 	snop  }
0x55: {  	[spmem:s2] =	stream.indirect.scatter.add.f32 [tilespmem:s20], [sflag:$0x1], $0x20, s19, s14, $0xb8;
	[tilespmem:$0x1FA30] =	vst v63  }
0x56: {  	_ = 	snop  }
0x57: {  	[spmem:s2] =	stream.indirect.scatter.add.f32 [tilespmem:s22], [sflag:$0x1], $0x20, s21, s14, $0xb8;
	[tilespmem:$0x1FA30] =	vst v63  }
0x58: {  	_ = 	snop  }
0x59: {  	[spmem:s2] =	stream.indirect.scatter.add.f32 [tilespmem:s24], [sflag:$0x1], $0x20, s23, s14, $0xb8;
	[tilespmem:$0x1FA30] =	vst v63  }
0x5a: {  	_ = 	snop  }
0x5b: {  	[spmem:s2] =	stream.indirect.scatter.add.f32 [tilespmem:s26], [sflag:$0x1], $0x20, s25, s14, $0xb8;
	[tilespmem:$0x1FA30] =	vst v63  }
0x5c: {  	_ =	swait.ge [sflag:s28], $0x1000  }
0x5d: {  	[sflag:s28] =	ssyncset.done $0x0  }
0x5e: {  	[sflag:s28] =	ssyncadd.s32 $0xFFFFF000  }
0x5f: {  	_ =	swait.ge [sflag:s28], $0x1000  }
0x60: {  	[sflag:s28] =	ssyncset.done $0x0  }
0x61: {  	[sflag:s28] =	ssyncadd.s32 $0xFFFFF000  }
0x62: {  	_ =	swait.ge [sflag:s28], $0x1000  }
0x63: {  	[sflag:s28] =	ssyncset.done $0x0  }
0x64: {  	[sflag:s28] =	ssyncadd.s32 $0xFFFFF000  }
0x65: {  	_ =	swait.ge [sflag:s28], $0x1000  }
0x66: {  	[sflag:s28] =	ssyncset.done $0x0  }
0x67: {  	[sflag:s28] =	ssyncadd.s32 $0xFFFFF000  }
0x68: {  	_ =	swait.ge [sflag:s28], $0x1000  }
0x69: {  	[sflag:s28] =	ssyncset.done $0x0  }
0x6a: {  	[sflag:s28] =	ssyncadd.s32 $0xFFFFF000  }
.Ltmp0:
0x6b: {  	_ =	swait.ge [sflag:s28], $0x1000;
	(pc) =	sbr.rel @p0 .LBB2_2-.Ltmp0, $4  }
0x6c: {  	[sflag:s28] =	ssyncset.done $0x0  }
0x6d: {  	[sflag:s28] =	ssyncadd.s32 $0xFFFFF000  }
0x6e: {  	_ =	swait.ge [sflag:s28], $0x1000  }
0x6f: {  	s0 =	smov.u32 s1;
	s30 =	sadd.s32 $0xE00, s30;
	[sflag:s28] =	ssyncset.done $0x0  }
0x70: {  	s0 =	sadd.s32 s31, s9;
	[sflag:s28] =	ssyncadd.s32 $0xFFFFF000  }
0x71: {  	[tilespmem:s12], [sflag:$0x2] =	stream.linear.gather [hbm4b:s0+s3], $0x380, $0x38;
	[tilespmem:$0x1FA30] =	vst v63  }
0x72: {  	_ =	swait.ge [sflag:s11], $0x380  }
0x73: {  	[sflag:s11] =	ssyncset.done $0x0  }
0x74: {  	[sflag:s11] =	ssyncadd.s32 $0xFFFFFC80  }
0x75: {  	[tilespmem:s13], [sflag:$0x2] =	stream.linear.gather [hbm4b:s30+s3], $0x7000, $0x38;
	[tilespmem:$0x1FA30] =	vst v63  }
0x76: {  	_ =	swait.ge [sflag:s11], $0x7000  }
0x77: {  	[sflag:s11] =	ssyncset.done $0x0  }
0x78: {  	[sflag:s11] =	ssyncadd.s32 $0xFFFF9000  }
0x79: {  	[spmem:s2] =	stream.indirect.scatter.add.f32 [tilespmem:s13], [sflag:$0x1], $0x20, s12, s14, $0xb8;
	[tilespmem:$0x1FA30] =	vst v63  }
0x7a: {  	_ = 	snop  }
0x7b: {  	[spmem:s2] =	stream.indirect.scatter.add.f32 [tilespmem:s16], [sflag:$0x1], $0x20, s15, s14, $0xb8;
	[tilespmem:$0x1FA30] =	vst v63  }
0x7c: {  	_ = 	snop  }
0x7d: {  	[spmem:s2] =	stream.indirect.scatter.add.f32 [tilespmem:s18], [sflag:$0x1], $0x20, s17, s14, $0xb8;
	[tilespmem:$0x1FA30] =	vst v63  }
0x7e: {  	_ = 	snop  }
0x7f: {  	[spmem:s2] =	stream.indirect.scatter.add.f32 [tilespmem:s20], [sflag:$0x1], $0x20, s19, s14, $0xb8;
	[tilespmem:$0x1FA30] =	vst v63  }
0x80: {  	_ = 	snop  }
0x81: {  	[spmem:s2] =	stream.indirect.scatter.add.f32 [tilespmem:s22], [sflag:$0x1], $0x20, s21, s14, $0xb8;
	[tilespmem:$0x1FA30] =	vst v63  }
0x82: {  	_ = 	snop  }
0x83: {  	[spmem:s2] =	stream.indirect.scatter.add.f32 [tilespmem:s24], [sflag:$0x1], $0x20, s23, s14, $0xb8;
	[tilespmem:$0x1FA30] =	vst v63  }
0x84: {  	_ = 	snop  }
0x85: {  	[spmem:s2] =	stream.indirect.scatter.add.f32 [tilespmem:s26], [sflag:$0x1], $0x20, s25, s14, $0xb8;
	[tilespmem:$0x1FA30] =	vst v63  }
0x86: {  	_ =	swait.ge [sflag:s28], $0x1000  }
0x87: {  	[sflag:s28] =	ssyncset.done $0x0  }
0x88: {  	[sflag:s28] =	ssyncadd.s32 $0xFFFFF000  }
0x89: {  	_ =	swait.ge [sflag:s28], $0x1000  }
0x8a: {  	[sflag:s28] =	ssyncset.done $0x0  }
0x8b: {  	[sflag:s28] =	ssyncadd.s32 $0xFFFFF000  }
0x8c: {  	_ =	swait.ge [sflag:s28], $0x1000  }
0x8d: {  	[sflag:s28] =	ssyncset.done $0x0  }
0x8e: {  	[sflag:s28] =	ssyncadd.s32 $0xFFFFF000  }
0x8f: {  	_ =	swait.ge [sflag:s28], $0x1000  }
0x90: {  	[sflag:s28] =	ssyncset.done $0x0  }
0x91: {  	[sflag:s28] =	ssyncadd.s32 $0xFFFFF000  }
0x92: {  	_ =	swait.ge [sflag:s28], $0x1000  }
0x93: {  	[sflag:s28] =	ssyncset.done $0x0  }
0x94: {  	[sflag:s28] =	ssyncadd.s32 $0xFFFFF000  }
0x95: {  	_ =	swait.ge [sflag:s28], $0x1000  }
0x96: {  	[sflag:s28] =	ssyncset.done $0x0  }
0x97: {  	[sflag:s28] =	ssyncadd.s32 $0xFFFFF000  }
0x98: {  	_ =	swait.ge [sflag:s28], $0x1000  }
0x99: {  	s29 =	sadd.s32 $0x1, s29;
	[sflag:s28] =	ssyncset.done $0x0  }
0x9a: {  	p0 =	sne.s32 s29, s7;
	[sflag:s28] =	ssyncadd.s32 $0xFFFFF000  }
.Ltmp1:
0x9b: {  	[bflag:$0x0] =	sbarrier.arrive $0xFFFF;
	(pc) =	sbr.rel @p0 .LBB2_1-.Ltmp1, $4  }
0x9c: {  	[hbm:s6], [sflag:s5] =	dma.local [spmem:s10], $0x30D4  }
0x9d: {  	_ =	swait.ge [sflag:s11], $0x30D4  }
0x9e: {  	[sflag:s11] =	ssyncset.done $0x0  }
0x9f: {  	[sflag:s11] =	ssyncadd.s32 $0xFFFFCF2C  }
0xa0: {  	_ =	sfence.sel $0x180000  }
0xa1: {  	[bflag:$0x0] =	sbarrier.arrive $0xFFFF  }
0xa2: {  	_ =	strace $0x9000004D  }
0xa3: {  	s0 =	stileid.u32;
	[bflag:$0x2] =	sbarrier.arrive $0xFFFF  }
0xa4: {  	p0 =	sne.s32 s0, $0x0;
	s0 =	rddreg [dreg:$0x4]  }
0xa5: {  	s0 =	sadd.s32 @!p0 $0x100000, s0  }
0xa6: {  	[sflag:s0] =	ssyncadd.tile.s32 @!p0 $0x1;
	_ =	shalt  }
.Lfunc_end2:
_tile_overlayer_lowered:
.L_overlay_start_2:
0xa7: {  	(tag) =	ssettag $0x2  }
0xa8: {  	s0 =	rddreg [dreg:$0x0];
	s2 =	stileid.u32  }
0xa9: {  	s1 =	rddreg [dreg:$0x1];
	p0 =	sne.s32 s2, $0x0  }
0xaa: {  	s3 =	rddreg [dreg:$0x2];
	[bflag:$0x3] =	sbarrier.arrive $0xFFFF;
	s2 =	simm.s32 @!p0 $0x1C02  }
0xab: {  	[timem:s3], [sflag:s2] =	dma.local @!p0 [hbm:s0], s1  }
0xac: {  	s0 =	simm.s32 @!p0 $0x2  }
0xad: {  	_ =	swait.ge @!p0 [sflag:s0], s1  }
0xae: {  	s1 =	ssub.s32 @!p0 $0x0, s1;
	[sflag:s0] =	ssyncset.done @!p0 $0x0  }
0xaf: {  	[sflag:s0] =	ssyncadd.s32 @!p0 s1  }
0xb0: {  	[bflag:$0x3] =	sbarrier.arrive $0xFFFF  }
0xb1: {  	_ =	shalt  }

// kernel: sparse-core-data-format-call.cloned.1.call-start
scs
called_computation_lowered:
.L_overlay_start_0:
0x0: {  	s1 =	sld [smem:$0x3FD9]  }
0x1: {  	s2 =	sld [smem:$0x3FFE];
	_ =	sdelay $0x1  }
0x2: {  	s3 =	srdreg.scid  }
0x3: {  	s0 =	sand.u32 $0x1, s3  }
0x4: {  	s17 =	sshll.u32 s0, $0xA;
	s1 =	sadd.s32 s2, s1  }
0x5: {  	s1 =	sadd.s32 s1, s17  }
0x6: {  	[smem:$0x3FB6] =	sst s1  }
0x7: {  	_ = 	snop  }
0x8: {  	(tm) =	ssettm $0x1  }
0x9: {  	s18 =	sld [smem:$0x3FFB];
	_ =	sdelay $0x3  }
0xa: {  	_ =	strace s18  }
0xb: {  	s1 =	sld [smem:$0x3FFC];
	_ =	sdelay $0x3  }
0xc: {  	_ =	strace s1  }
0xd: {  	s1 =	sld [smem:$0x3FFD];
	_ =	sdelay $0x3  }
0xe: {  	_ =	strace s1  }
0xf: {  	_ =	strace $0x8FFFFFFF  }
0x10: {  	s19 =	sld [smem:$0x3FDB];
	_ =	sdelay $0x1  }
0x11: {  	s20 =	simm.s32 $_scs_section_size  }
0x12: {  	s4 =	simm.s32 $_size__tile_overlayer_lowered;
	s5 =	simm.s32 $_tile_overlayer_lowered  }
0x13: {  	s23 =	simm.s32 $0x1BFF;
	s22 =	sshll.u32 s5, $0x1;
	s1 =	sadd.s32 s20, s19  }
0x14: {  	s6 =	simm.s32 $0x0;
	s21 =	sshll.u32 s4, $0x1;
	s4 =	sadd.s32 s22, s1  }
0x15: {  	[timem:s6], [sflag:s23] =	dma.local [hbm:s4], s21  }
0x16: {  	_ =	swait.ge [sflag:s23], s21  }
0x17: {  	s2 =	ssub.s32 $0x0, s21;
	[sflag:s23] =	ssyncset.done $0x0  }
0x18: {  	[sflag:s23] =	ssyncadd.s32 s2;
	_ =	sdelay $0x1  }
0x19: {  	s24 =	simm.s32 $0x1B8B  }
0x1a: {  	_ =	swait.ge [sflag:s24], $0x1  }
0x1b: {  	[sflag:s24] =	ssyncset.done $0x0  }
0x1c: {  	s26 =	simm.s32 $0x1B8E;
	s25 =	sld [smem:$0x3FFE];
	[sflag:s24] =	ssyncadd.s32 $0xFFFFFFFF  }
0x1d: {  	s27 =	simm.s32 $execute0_lowered;
	[smem:$0x3FD2] =	sst s26  }
0x1e: {  	s4 =	sshll.u32 s27, $0x1;
	_ =	strace $0x80000049;
	[dreg:$0x1] =	wrdreg $0xFFFFFFFF  }
0x1f: {  	s28 =	simm.s32 $_size_execute0_lowered;
	s1 =	sadd.s32 s1, s4;
	[dreg:$0x0] =	wrdreg $0x0  }
0x20: {  	s4 =	sshll.u32 s28, $0x1;
	[dreg:$0x2] =	wrdreg s1  }
0x21: {  	[dreg:$0x3] =	wrdreg s4  }
0x22: {  	[dreg:$0x4] =	wrdreg $0xC0  }
0x23: {  	_ =	task [dreg:s6], $0x5FFFF  }
0x24: {  	[dreg:$0x1] =	wrdreg $0xFFFFFFFF  }
0x25: {  	[dreg:$0x0] =	wrdreg $0x60  }
0x26: {  	[dreg:$0x2] =	wrdreg s25  }
0x27: {  	[dreg:$0x3] =	wrdreg $0x9  }
0x28: {  	_ =	task.clear_ibuf [dreg:s6], $0x4FFFF;
	_ =	strace $0x90000049  }
0x29: {  	s29 =	simm.s32 $0x9;
	_ =	strace $0x8000004B  }
0x2a: {  	_ =	swait.ge [sflag:s29], $0x1  }
0x2b: {  	[sflag:s29] =	ssyncadd.s32 $0xFFFFFFFF  }
0x2c: {  	_ =	strace $0x9000004B  }
0x2d: {  	_ =	sfence  }
0x2e: {  	s30 =	sld [smem:$0x0];
	_ =	sdelay $0x2  }
0x2f: {  	s31 =	sshll.u32 s3, $0xD;
	s3 =	sshrl.u32 s3, $0x2  }
0x30: {  	s2 =	sand.u32 $0x4000, s31;
	s1 =	sadd.s32 s3, s30  }
0x31: {  	s0 =	sor.u32 s2, s0;
	s1 =	sshll.u32 s1, $0x11  }
0x32: {  	s0 =	sor.u32 s1, s0  }
0x33: {  	s0 =	sadd.s32 $0x8F2B, s0  }
0x34: {  	[sflag:s0] =	ssyncadd.remote.s32 $0x1  }
0x35: {  	_ =	sfence.sel $0xFFFF  }
0x36: {  	[dreg:$0x0] =	wrdreg $0xFFFFFFFF;
	(pc) =	sbr.abs _section_cstart, $3  }
0x37: {  	[dreg:$0x1] =	wrdreg $0xFFFFFFFF  }
0x38: {  	_ =	task.clear_ibuf [dreg:s6], $0x2FFFF;
	_ =	strace $0x9FFFFFFF  }
0x39: {  	(tm) =	ssettm $0x7FFFFFFF  }
tec
execute0_lowered:
.L_overlay_start_1:
0x0: {  	(tag) =	ssettag $0x1  }
0x1: {  	s0 =	srdreg.scid  }
0x2: {  	s1 =	sshll.u32 s0, $0x4  }
0x3: {  	s4 =	rddreg [dreg:$0x0];
	s0 =	stileid.u32;
	s1 =	sand.u32 $0x10, s1  }
0x4: {  	s7 =	simm.s32 $0x1;
	s8 =	simm.s32 $0x2;
	s2 =	sor.u32 s0, s1  }
0x5: {  	s9 =	simm.s32 $0x0;
	s12 =	simm.s32 $0x0;
	s2 =	sshll.u32 s2, $0x3  }
0x6: {  	s11 =	simm.s32 $0x0;
	s3 =	sadd.s32 $0x198600, s4;
	s6 =	ssub.s32 $0x1880, s2  }
.Ltmp0:
0x7: {  	s4 =	sadd.s32 $0x320600, s4;
	s5 =	sand.u32 $0xF8, s6;
	(pc) =	sbr.rel .LBB1_1-.Ltmp0, $4  }
0x8: {  	s1 =	rddreg [dreg:$0x1];
	_ =	strace $0x8000004A;
	p0 =	sne.s32 s5, $0x0  }
0x9: {  	s6 =	sshrl.u32 s6, $0x8;
	s5 =	simm.s32 $0x1;
	s7 =	simm.s32 @!p0 $0x0  }
0xa: {  	s10 =	smov.u32 s2;
	[sflag:s5] =	ssyncpa.u1 $0x0;
	s6 =	sadd.s32 s7, s6  }
0xb: {  	[sflag:s8] =	ssyncpa.u1 $0x0;
	s8 =	simm.s32 $0x0;
	s7 =	sadd.s32 $0x1, s6  }
.LBB1_9:
0xc: {  	s14 =	sadd.s32 $0x100, s10  }
0xd: {  	p1 =	sgt.s32 s14, $0x187F  }
0xe: {  	s14 =	smov.u32 @p1 s2;
	p1 =	sne.s32 s11, s7  }
.Ltmp1:
0xf: {  	p0 =	slt.u32 s11, $0x2;
	(pc) =	sbr.rel @!p1 .LBB1_10-.Ltmp1, $4  }
0x10: {  	s13 =	simm.s32 @!p0 $0x2  }
0x11: {  	s15 =	sadd.s32 $0x1, s11;
	_ =	swait.ge @!p0 [sflag:s13], $0x4000  }
0x12: {  	s12 =	smov.u32 s10;
	s9 =	sadd.s32 $0x4000, s9;
	[sflag:s13] =	ssyncset.done @!p0 $0x0  }
0x13: {  	s11 =	smov.u32 s15;
	s10 =	smov.u32 s14;
	[sflag:s13] =	ssyncadd.s32 @!p0 $0xFFFFC000  }
.LBB1_1:
0x14: {  	p0 =	sge.u32 s11, s6  }
0x15: {  	s13 =	sxor.u32 @!p0 $0xFFFFFFFF, s11  }
0x16: {  	s31 =	sadd.s32 $0xFFFFFFFF, s11;
	s14 =	sshll.u32 @!p0 s10, $0x8;
	s13 =	sshll.u32 @!p0 s13, $0xE  }
0x17: {  	s15 =	simm.s32 @!p0 $0x0;
	s14 =	sadd.s32 @!p0 s3, s14;
	s13 =	sand.u32 @!p0 $0x4000, s13  }
0x18: {  	[tilespmem:s13], [sflag:$0x1] =	stream.linear.gather @!p0 [hbm4b:s14+s15], $0x4000, $0x38;
	[tilespmem:$0x10000] =	vst v63  }
0x19: {  	p0 =	sge.u32 s31, s6  }
.Ltmp2:
0x1a: {  	_ = 	snop;
	(pc) =	sbr.rel @p0 .LBB1_9-.Ltmp2, $1  }
0x1b: {  	_ =	sdelay $0x3  }
0x1c: {  	s13 =	sshll.u32 s9, $0x2;
	_ =	swait.ge [sflag:s5], $0x4000;
	s14 =	sshll.u32 s11, $0xE  }
0x1d: {  	s16 =	simm.s32 $0x0;
	s17 =	simm.s32 $0x0;
	s15 =	sand.u32 $0x10000, s13  }
0x1e: {  	[sflag:s5] =	ssyncset.done $0x0;
	s31 =	sand.u32 $0x4000, s14;
	s14 =	sshrl.u32 s15, $0x2  }
0x1f: {  	[sflag:s5] =	ssyncadd.s32 $0xFFFFC000;
	s13 =	sor.u32 $0x8000, s31;
	s15 =	sor.u32 $0x8000, s14  }
.LBB1_3:
0x20: {  	s18 =	sshra.s32 s16, $0x2  }
0x21: {  	v0 =	vmov s18;
	_ =	sdelay $0x3  }
0x22: {  	p1 =	por $0x1, $0x1;
	s18 =	simm.s32 $0x0  }
.LBB1_4:
0x23: {  	_ = 	snop  }
0x24: {  	s19 =	sshll.u32 s18, $0xA  }
0x25: {  	s19 =	sand.u32 $0x3FFFFC00, s19  }
0x26: {  	s19 =	sadd.s32 s19, s14  }
0x27: {  	v5 =	vld.idx.msk [tilespmem:v0+s19+$0x70 ss:$0x1], $0xffff  }
0x28: {  	v6 =	vld.idx.msk [tilespmem:v0+s19+$0x10 ss:$0x1], $0xffff  }
0x29: {  	v7 =	vld.idx.msk [tilespmem:v0+s19+$0x20 ss:$0x1], $0xffff  }
0x2a: {  	s31 =	sshll.u32 s18, $0x7;
	v1 =	vld.idx.msk [tilespmem:v0+s19+$0x30 ss:$0x1], $0xffff  }
0x2b: {  	s18 =	sand.u32 $0x3FFFFF80, s31;
	v2 =	vld.idx.msk [tilespmem:v0+s19+$0x40 ss:$0x1], $0xffff  }
0x2c: {  	s18 =	sadd.s32 s18, s15;
	v3 =	vld.idx.msk [tilespmem:v0+s19+$0x50 ss:$0x1], $0xffff  }
0x2d: {  	v4 =	vld.idx.msk [tilespmem:v0+s19+$0x60 ss:$0x1], $0xffff;
	[tilespmem:v0+s18+$0x70 ss:$0x1] =	vst.idx.msk $0xffff, v5  }
0x2e: {  	v5 =	vld.idx.msk [tilespmem:v0+s19+$0x0 ss:$0x1], $0xffff;
	[tilespmem:v0+s18+$0x10 ss:$0x1] =	vst.idx.msk $0xffff, v6;
	s19 =	sadd.s32 $0x80, s19  }
0x2f: {  	p0 =	por p1, p1;
	s20 =	simm.s32 $0x6;
	[tilespmem:v0+s18+$0x20 ss:$0x1] =	vst.idx.msk $0xffff, v7;
	v6 =	vld.idx.msk [tilespmem:v0+s19+$0x70 ss:$0x1], $0xffff  }
.LBB1_5:
0x30: {  	p1 =	sne.s32 s20, $0x1;
	v7 =	vld.idx.msk [tilespmem:v0+s19+$0x10 ss:$0x1], $0xffff;
	[tilespmem:v0+s18+$0x30 ss:$0x1] =	vst.idx.msk $0xffff, v1  }
0x31: {  	v8 =	vld.idx.msk [tilespmem:v0+s19+$0x20 ss:$0x1], $0xffff;
	[tilespmem:v0+s18+$0x40 ss:$0x1] =	vst.idx.msk $0xffff, v2  }
0x32: {  	v1 =	vld.idx.msk [tilespmem:v0+s19+$0x30 ss:$0x1], $0xffff;
	[tilespmem:v0+s18+$0x50 ss:$0x1] =	vst.idx.msk $0xffff, v3  }
.Ltmp3:
0x33: {  	v2 =	vld.idx.msk [tilespmem:v0+s19+$0x40 ss:$0x1], $0xffff;
	[tilespmem:v0+s18+$0x60 ss:$0x1] =	vst.idx.msk $0xffff, v4;
	(pc) =	sbr.rel @p1 .LBB1_5-.Ltmp3, $4  }
0x34: {  	v3 =	vld.idx.msk [tilespmem:v0+s19+$0x50 ss:$0x1], $0xffff;
	[tilespmem:v0+s18+$0x0 ss:$0x1] =	vst.idx.msk $0xffff, v5;
	s18 =	sadd.s32 $0x100, s18  }
0x35: {  	v4 =	vld.idx.msk [tilespmem:v0+s19+$0x60 ss:$0x1], $0xffff;
	[tilespmem:v0+s18+$0x70 ss:$0x1] =	vst.idx.msk $0xffff, v6  }
0x36: {  	v5 =	vld.idx.msk [tilespmem:v0+s19+$0x0 ss:$0x1], $0xffff;
	[tilespmem:v0+s18+$0x10 ss:$0x1] =	vst.idx.msk $0xffff, v7;
	s19 =	sadd.s32 $0x80, s19  }
0x37: {  	s20 =	sadd.s32 $0xFFFFFFFF, s20;
	v6 =	vld.idx.msk [tilespmem:v0+s19+$0x70 ss:$0x1], $0xffff;
	[tilespmem:v0+s18+$0x20 ss:$0x1] =	vst.idx.msk $0xffff, v8  }
0x38: {  	_ =	sdelay $0x3  }
0x39: {  	[tilespmem:v0+s18+$0x30 ss:$0x1] =	vst.idx.msk $0xffff, v1  }
0x3a: {  	v1 =	vld.idx.msk [tilespmem:v0+s19+$0x10 ss:$0x1], $0xffff;
	[tilespmem:v0+s18+$0x40 ss:$0x1] =	vst.idx.msk $0xffff, v2  }
0x3b: {  	v2 =	vld.idx.msk [tilespmem:v0+s19+$0x20 ss:$0x1], $0xffff;
	[tilespmem:v0+s18+$0x50 ss:$0x1] =	vst.idx.msk $0xffff, v3  }
0x3c: {  	v61 =	vld.idx.msk [tilespmem:v0+s19+$0x40 ss:$0x1], $0xffff;
	[tilespmem:v0+s18+$0x60 ss:$0x1] =	vst.idx.msk $0xffff, v4  }
0x3d: {  	s31 =	sadd.s32 $0x100, s18;
	v62 =	vld.idx.msk [tilespmem:v0+s19+$0x50 ss:$0x1], $0xffff;
	[tilespmem:v0+s18+$0x0 ss:$0x1] =	vst.idx.msk $0xffff, v5  }
0x3e: {  	v63 =	vld.idx.msk [tilespmem:v0+s19+$0x60 ss:$0x1], $0xffff;
	[tilespmem:v0+s31+$0x70 ss:$0x1] =	vst.idx.msk $0xffff, v6  }
0x3f: {  	v3 =	vld.idx.msk [tilespmem:v0+s19+$0x30 ss:$0x1], $0xffff;
	[tilespmem:v0+s31+$0x10 ss:$0x1] =	vst.idx.msk $0xffff, v1  }
0x40: {  	v1 =	vld.idx.msk [tilespmem:v0+s19+$0x0 ss:$0x1], $0xffff;
	[tilespmem:v0+s31+$0x20 ss:$0x1] =	vst.idx.msk $0xffff, v2  }
.Ltmp4:
0x41: {  	[tilespmem:v0+s31+$0x40 ss:$0x1] =	vst.idx.msk $0xffff, v61;
	(pc) =	sbr.rel @p0 .LBB1_4-.Ltmp4, $4  }
0x42: {  	[tilespmem:v0+s31+$0x50 ss:$0x1] =	vst.idx.msk $0xffff, v62  }
0x43: {  	[tilespmem:v0+s31+$0x60 ss:$0x1] =	vst.idx.msk $0xffff, v63  }
0x44: {  	[tilespmem:v0+s31+$0x30 ss:$0x1] =	vst.idx.msk $0xffff, v3  }
0x45: {  	p1 =	por $0x0, $0x0;
	s18 =	simm.s32 $0x1;
	[tilespmem:v0+s31+$0x0 ss:$0x1] =	vst.idx.msk $0xffff, v1  }
0x46: {  	s17 =	sadd.s32 $0x1, s17  }
0x47: {  	p0 =	sne.s32 s17, $0x8  }
.Ltmp5:
0x48: {  	_ = 	snop;
	(pc) =	sbr.rel @p0 .LBB1_3-.Ltmp5, $2  }
0x49: {  	_ =	sdelay $0x2  }
0x4a: {  	s16 =	sadd.s32 $0x2000, s16  }
.Ltmp6:
0x4b: {  	(pc) =	sbr.rel .LBB1_9-.Ltmp6, $4  }
0x4c: {  	_ = 	snop  }
0x4d: {  	s12 =	sshll.u32 s12, $0x8  }
0x4e: {  	s12 =	sadd.s32 s4, s12  }
0x4f: {  	[hbm4b:s12+s8] =	stream.linear.scatter [tilespmem:s13], [sflag:$0x2], $0x4000, $0x38;
	[tilespmem:$0x10000] =	vst v63  }
.LBB1_10:
0x50: {  	_ =	sfence.sel $0x180000  }
0x51: {  	s2 =	simm.s32 $0x1;
	[bflag:$0x0] =	sbarrier.arrive $0xFFFF  }
0x52: {  	s31 =	simm.s32 $0x2;
	[sflag:s2] =	ssyncpa.u1 $0x1  }
0x53: {  	[sflag:s31] =	ssyncpa.u1 $0x1  }
0x54: {  	p0 =	sne.s32 s0, $0x0;
	_ =	strace $0x9000004A  }
0x55: {  	s0 =	sadd.s32 @!p0 $0x100000, s1;
	[bflag:$0x2] =	sbarrier.arrive $0xFFFF  }
0x56: {  	[sflag:s0] =	ssyncadd.tile.s32 @!p0 $0x1;
	_ =	shalt  }
.Lfunc_end1:
_tile_overlayer_lowered:
.L_overlay_start_2:
0x57: {  	(tag) =	ssettag $0x2  }
0x58: {  	s0 =	rddreg [dreg:$0x0];
	s2 =	stileid.u32  }
0x59: {  	s1 =	rddreg [dreg:$0x1];
	p0 =	sne.s32 s2, $0x0  }
0x5a: {  	s3 =	rddreg [dreg:$0x2];
	[bflag:$0x3] =	sbarrier.arrive $0xFFFF;
	s2 =	simm.s32 @!p0 $0x1C01  }
0x5b: {  	[timem:s3], [sflag:s2] =	dma.local @!p0 [hbm:s0], s1  }
0x5c: {  	s0 =	simm.s32 @!p0 $0x1  }
0x5d: {  	_ =	swait.ge @!p0 [sflag:s0], s1  }
0x5e: {  	s1 =	ssub.s32 @!p0 $0x0, s1;
	[sflag:s0] =	ssyncset.done @!p0 $0x0  }
0x5f: {  	[sflag:s0] =	ssyncadd.s32 @!p0 s1  }
0x60: {  	[bflag:$0x3] =	sbarrier.arrive $0xFFFF  }
0x61: {  	_ =	shalt  }

</sc_bundles>
